<compile_context>
chip_gen: v7x
topology: tpu7x:2x2x1
jax: 0.10.2.dev20260603
libtpu: 0.0.44.dev20260713+nightly
codegen_flags: <defaults>
</compile_context>

<pallas_src>
import functools

import jax
import jax.numpy as jnp
from jax import lax
from jax.experimental import pallas as pl
from jax.experimental.pallas import tpu as pltpu
from jax.experimental.pallas import tpu_sc as plsc

N = 10000
D = 128
NP = 10240
ROWS_PER_TILE = NP // 16
E = 320000
CHUNK = 128
CHUNKS_PER_TILE = 80
EDGES_PER_TILE = CHUNKS_PER_TILE * CHUNK
EP = EDGES_PER_TILE * 32
ROW_BLOCK = 640



def _linear_body(x_ref, w_ref, b_ref, c_ref, o_ref):
    acc = lax.dot_general(x_ref[...], w_ref[...], (((1,), (1,)), ((), ())),
                          preferred_element_type=jnp.float32)
    o_ref[...] = (acc + b_ref[...]) * c_ref[0]


def _linear(x, W, b, c):
    return pl.pallas_call(
        _linear_body,
        grid=(NP // ROW_BLOCK,),
        in_specs=[
            pl.BlockSpec((ROW_BLOCK, D), lambda i: (i, 0)),
            pl.BlockSpec((D, D), lambda i: (0, 0)),
            pl.BlockSpec((1, D), lambda i: (0, 0)),
            pl.BlockSpec(memory_space=pltpu.SMEM),
        ],
        out_specs=pl.BlockSpec((ROW_BLOCK, D), lambda i: (i, 0)),
        out_shape=jax.ShapeDtypeStruct((NP, D), jnp.float32),
    )(x, W, b, c)


def _mid_body(p_ref, w_ref, b_ref, c_ref, o_ref):
    h = jnp.maximum(p_ref[0] + p_ref[1], 0.0)
    acc = lax.dot_general(h, w_ref[...], (((1,), (1,)), ((), ())),
                          preferred_element_type=jnp.float32)
    o_ref[...] = (acc + b_ref[...]) * c_ref[0]


def _mid(p, W, b, c):
    return pl.pallas_call(
        _mid_body,
        grid=(NP // ROW_BLOCK,),
        in_specs=[
            pl.BlockSpec((2, ROW_BLOCK, D), lambda i: (0, i, 0)),
            pl.BlockSpec((D, D), lambda i: (0, 0)),
            pl.BlockSpec((1, D), lambda i: (0, 0)),
            pl.BlockSpec(memory_space=pltpu.SMEM),
        ],
        out_specs=pl.BlockSpec((ROW_BLOCK, D), lambda i: (i, 0)),
        out_shape=jax.ShapeDtypeStruct((NP, D), jnp.float32),
    )(p, W, b, c)


def _final_body(q_ref, o_ref):
    o = q_ref[0] + q_ref[1]
    m = jnp.max(o, axis=1, keepdims=True)
    e = jnp.exp(o - m)
    s = jnp.sum(e, axis=1, keepdims=True)
    o_ref[...] = o - m - jnp.log(s)


def _final(q):
    return pl.pallas_call(
        _final_body,
        grid=(N // 2000,),
        in_specs=[pl.BlockSpec((2, 2000, D), lambda i: (0, i, 0))],
        out_specs=pl.BlockSpec((2000, D), lambda i: (i, 0)),
        out_shape=jax.ShapeDtypeStruct((N, D), jnp.float32),
    )(q)



_SC_MESH = plsc.VectorSubcoreMesh(core_axis_name="c", subcore_axis_name="s")


@functools.partial(
    pl.kernel,
    mesh=_SC_MESH,
    out_type=jax.ShapeDtypeStruct((2, NP, D), jnp.float32),
    scratch_types=[
        pltpu.VMEM((EDGES_PER_TILE,), jnp.int32),
        pltpu.VMEM((CHUNKS_PER_TILE, CHUNK), jnp.int32),
        pltpu.VMEM((CHUNK, D), jnp.float32),
        pltpu.VMEM_SHARED((NP, D), jnp.float32),
        pltpu.SemaphoreType.DMA,
    ],
)
def _sc_scatter(y_hbm, z_hbm, src_hbm, dst2d_hbm, out_hbm,
                sidx, didx, rows, accum, sem):
    c = lax.axis_index("c")
    s = lax.axis_index("s")
    wid = s * 2 + c
    r0 = s * ROWS_PER_TILE

    @pl.when(c == 0)
    def _():
        pltpu.sync_copy(y_hbm.at[pl.ds(r0, ROWS_PER_TILE)],
                        accum.at[pl.ds(r0, ROWS_PER_TILE)])

    @pl.when(c == 1)
    def _():
        pltpu.sync_copy(z_hbm.at[pl.ds(r0, ROWS_PER_TILE)],
                        accum.at[pl.ds(r0, ROWS_PER_TILE)])

    plsc.subcore_barrier()

    pltpu.sync_copy(src_hbm.at[pl.ds(wid * EDGES_PER_TILE, EDGES_PER_TILE)],
                    sidx)
    pltpu.sync_copy(dst2d_hbm.at[pl.ds(wid * CHUNKS_PER_TILE, CHUNKS_PER_TILE)],
                    didx)

    def step(k, carry):
        pltpu.async_copy(y_hbm.at[sidx.at[pl.ds(k * CHUNK, CHUNK)]],
                         rows, sem).wait()
        pltpu.sync_copy(rows, accum.at[didx.at[k]], add=True)
        return carry

    lax.fori_loop(0, CHUNKS_PER_TILE, step, 0)

    plsc.subcore_barrier()
    pltpu.sync_copy(accum.at[pl.ds(r0, ROWS_PER_TILE)],
                    out_hbm.at[c].at[pl.ds(r0, ROWS_PER_TILE)])



def kernel(x, edge_index, W1, b1, Wa1, ba1, c1, W2, b2, Wa2, ba2, c2):
    src = edge_index[0]
    dst = edge_index[1]
    pad_e = EP - E
    src_p = jnp.concatenate([src, jnp.zeros((pad_e,), src.dtype)])
    dst_p = jnp.concatenate([dst, jnp.full((pad_e,), N, dst.dtype)])
    dst2d = dst_p.reshape(CHUNKS_PER_TILE * 32, CHUNK)

    x_p = jnp.pad(x, ((0, NP - N), (0, 0)))
    z = jnp.zeros((NP, D), jnp.float32)
    c1s = -jnp.abs(c1)
    c2s = -jnp.abs(c2)

    y1 = _linear(x_p, W1, b1.reshape(1, D), c1s)
    p = _sc_scatter(y1, z, src_p, dst2d)
    y2 = _mid(p, W2, b2.reshape(1, D), c2s)
    q = _sc_scatter(y2, z, src_p, dst2d)
    return _final(q)

# --- scband reference (transcript-rebuilt; emitter-appended) ---
"""Pipeline reference for scband-hgcn-6133213299293 (READ-ONLY COPY).

The authoritative reference and input builder live on the scoring server;
editing this copy changes nothing except your own understanding.
"""

import jax, jax.numpy as jnp
import numpy as np

N = 10000
E = 320000
D_IN = 128
D_HID = 128
D_OUT = 128


def setup_inputs(seed: int = 0) -> dict:
    key = jax.random.key(seed)
    ks = jax.random.split(key, 12)
    inp = {}
    inp["x"] = jax.random.normal(ks[0], (N, D_IN), dtype=jnp.float32)
    inp["edge_index"] = jax.random.randint(ks[1], (2, E), 0, N)
    s1 = 1.0 / np.sqrt(D_IN)
    inp["W1"] = jax.random.uniform(ks[2], (D_HID, D_IN), minval=-s1, maxval=s1, dtype=jnp.float32)
    inp["b1"] = jax.random.uniform(ks[3], (D_HID,), minval=-s1, maxval=s1, dtype=jnp.float32)
    sa1 = 1.0 / np.sqrt(2 * D_HID)
    inp["Wa1"] = jax.random.uniform(ks[4], (1, 2 * D_HID), minval=-sa1, maxval=sa1, dtype=jnp.float32)
    inp["ba1"] = jax.random.uniform(ks[5], (1,), minval=-sa1, maxval=sa1, dtype=jnp.float32)
    inp["c1"] = jnp.array([-1.0], dtype=jnp.float32)
    s2 = 1.0 / np.sqrt(D_HID)
    inp["W2"] = jax.random.uniform(ks[6], (D_OUT, D_HID), minval=-s2, maxval=s2, dtype=jnp.float32)
    inp["b2"] = jax.random.uniform(ks[7], (D_OUT,), minval=-s2, maxval=s2, dtype=jnp.float32)
    sa2 = 1.0 / np.sqrt(2 * D_OUT)
    inp["Wa2"] = jax.random.uniform(ks[8], (1, 2 * D_OUT), minval=-sa2, maxval=sa2, dtype=jnp.float32)
    inp["ba2"] = jax.random.uniform(ks[9], (1,), minval=-sa2, maxval=sa2, dtype=jnp.float32)
    inp["c2"] = jnp.array([-1.0], dtype=jnp.float32)
    return inp


def _hgcn_layer(x, edge_index, W, b, Wa, ba, curv):
    n = x.shape[0]
    # add_self_loops
    loops = jnp.arange(n, dtype=edge_index.dtype)
    ei = jnp.concatenate([edge_index, jnp.stack([loops, loops], axis=0)], axis=1)
    # linear transform
    x = x @ W.T + b
    src = ei[0]  # j (source / message sender)
    dst = ei[1]  # i (target / aggregation node)
    x_j = jnp.take(x, src, axis=0)
    x_i = jnp.take(x, dst, axis=0)
    x_concat = jnp.concatenate([x_i, x_j], axis=1)
    alpha = x_concat @ Wa.T + ba
    alpha = jax.nn.leaky_relu(alpha, negative_slope=0.01)
    # softmax over dim=1 of shape [E, 1] -> ones (faithful to original)
    alpha = jax.nn.softmax(alpha, axis=1)
    curvature = -jnp.abs(curv)
    msg = alpha * x_j * curvature
    out = jnp.zeros_like(x).at[dst].add(msg)
    return out


def reference(x, edge_index, W1, b1, Wa1, ba1, c1, W2, b2, Wa2, ba2, c2):
    h = jax.nn.relu(_hgcn_layer(x, edge_index, W1, b1, Wa1, ba1, c1))
    o = _hgcn_layer(h, edge_index, W2, b2, Wa2, ba2, c2)
    return jax.nn.log_softmax(o, axis=1)

if __name__ == "__main__":
    import jax
    _d = setup_inputs()
    print(jax.jit(kernel)(*tuple(_d.values())))

</pallas_src>

<mosaic_0001>
#map = affine_map<(d0, d1) -> (0, 0)>
#map1 = affine_map<(d0, d1) -> (0)>
#map2 = affine_map<(d0, d1) -> (0, 0, 0)>
module attributes {stable_mosaic.version = 14 : i64} {
  func.func @_sc_scatter(%arg0: i32, %arg1: i32, %arg2: memref<10240x128xf32, #tpu.memory_space<hbm>>, %arg3: memref<10240x128xf32, #tpu.memory_space<hbm>>, %arg4: memref<327680xi32, #tpu.memory_space<hbm>>, %arg5: memref<2560x128xi32, #tpu.memory_space<hbm>>, %arg6: memref<2x10240x128xf32, #tpu.memory_space<hbm>>, %arg7: memref<10240xi32, #tpu.memory_space<vmem>>, %arg8: memref<80x128xi32, #tpu.memory_space<vmem>>, %arg9: memref<128x128xf32, #tpu.memory_space<vmem>>, %arg10: memref<10240x128xf32, #tpu.memory_space<vmem_shared>>, %arg11: memref<!tpu.dma_semaphore, #tpu.memory_space<semaphore_mem>>) attributes {dimension_semantics = [#tpu.dimension_semantics<core_parallel>, #tpu.dimension_semantics<subcore_parallel>], iteration_bounds = array<i64: 2, 16>, scalar_prefetch = 0 : i64, scratch_operands = 5 : i64, tpu.core_type = #tpu.core_type<sc_vector_subcore>, window_params = [{transform_indices = #map}, {transform_indices = #map}, {transform_indices = #map1}, {transform_indices = #map}, {transform_indices = #map2}]} {
    %mul3A = arith.constant 2 : i32
    %mul3A_0 = arith.muli %arg1, %mul3A : i32
    %add3A = arith.addi %mul3A_0, %arg0 : i32
    %mul3A_1 = arith.constant 640 : i32
    %mul3A_2 = arith.muli %arg1, %mul3A_1 : i32
    %eq3A = arith.constant 0 : i32
    %eq3A_3 = arith.cmpi eq, %arg0, %eq3A : i32
    %convert_element_type3A = arith.extui %eq3A_3 : i1 to i32
    %cond3A = arith.constant 0 : i32
    %cond3A_4 = arith.cmpi ne, %convert_element_type3A, %cond3A : i32
    scf.if %cond3A_4 {
      "tpu.region"() ({
        %run_scoped3A = tpu.sem_alloc : memref<!tpu.dma_semaphore, #tpu.memory_space<semaphore_mem>>
        %dma_start3A = arith.constant 0 : i32
        %dma_start3A_20 = tpu.memref_slice %arg10[%mul3A_2, %dma_start3A] : memref<10240x128xf32, #tpu.memory_space<vmem_shared>> -> memref<640x128xf32, #tpu.memory_space<vmem_shared>>
        %dma_start3A_21 = arith.constant 0 : i32
        %dma_start3A_22 = tpu.memref_slice %arg2[%mul3A_2, %dma_start3A_21] : memref<10240x128xf32, #tpu.memory_space<hbm>> -> memref<640x128xf32, #tpu.memory_space<hbm>>
        tpu.enqueue_dma source(%dma_start3A_22 : memref<640x128xf32, #tpu.memory_space<hbm>>) target(%dma_start3A_20 : memref<640x128xf32, #tpu.memory_space<vmem_shared>>) target_semaphore(%run_scoped3A : memref<!tpu.dma_semaphore, #tpu.memory_space<semaphore_mem>>)
        %dma_wait3A = arith.constant 0 : i32
        %dma_wait3A_23 = tpu.memref_slice %arg10[%mul3A_2, %dma_wait3A] : memref<10240x128xf32, #tpu.memory_space<vmem_shared>> -> memref<640x128xf32, #tpu.memory_space<vmem_shared>>
        %dma_wait3A_24 = arith.constant 0 : i32
        %dma_wait3A_25 = tpu.memref_slice %arg2[%mul3A_2, %dma_wait3A_24] : memref<10240x128xf32, #tpu.memory_space<hbm>> -> memref<640x128xf32, #tpu.memory_space<hbm>>
        tpu.wait_dma2 semaphore(%run_scoped3A : memref<!tpu.dma_semaphore, #tpu.memory_space<semaphore_mem>>) src(%dma_wait3A_25 : memref<640x128xf32, #tpu.memory_space<hbm>>) dst(%dma_wait3A_23 : memref<640x128xf32, #tpu.memory_space<vmem_shared>>)
        tpu.yield
      }) : () -> ()
    } else {
    }
    %eq3A_5 = arith.constant 1 : i32
    %eq3A_6 = arith.cmpi eq, %arg0, %eq3A_5 : i32
    %convert_element_type3A_7 = arith.extui %eq3A_6 : i1 to i32
    %cond3A_8 = arith.constant 0 : i32
    %cond3A_9 = arith.cmpi ne, %convert_element_type3A_7, %cond3A_8 : i32
    scf.if %cond3A_9 {
      "tpu.region"() ({
        %run_scoped3A = tpu.sem_alloc : memref<!tpu.dma_semaphore, #tpu.memory_space<semaphore_mem>>
        %dma_start3A = arith.constant 0 : i32
        %dma_start3A_20 = tpu.memref_slice %arg10[%mul3A_2, %dma_start3A] : memref<10240x128xf32, #tpu.memory_space<vmem_shared>> -> memref<640x128xf32, #tpu.memory_space<vmem_shared>>
        %dma_start3A_21 = arith.constant 0 : i32
        %dma_start3A_22 = tpu.memref_slice %arg3[%mul3A_2, %dma_start3A_21] : memref<10240x128xf32, #tpu.memory_space<hbm>> -> memref<640x128xf32, #tpu.memory_space<hbm>>
        tpu.enqueue_dma source(%dma_start3A_22 : memref<640x128xf32, #tpu.memory_space<hbm>>) target(%dma_start3A_20 : memref<640x128xf32, #tpu.memory_space<vmem_shared>>) target_semaphore(%run_scoped3A : memref<!tpu.dma_semaphore, #tpu.memory_space<semaphore_mem>>)
        %dma_wait3A = arith.constant 0 : i32
        %dma_wait3A_23 = tpu.memref_slice %arg10[%mul3A_2, %dma_wait3A] : memref<10240x128xf32, #tpu.memory_space<vmem_shared>> -> memref<640x128xf32, #tpu.memory_space<vmem_shared>>
        %dma_wait3A_24 = arith.constant 0 : i32
        %dma_wait3A_25 = tpu.memref_slice %arg3[%mul3A_2, %dma_wait3A_24] : memref<10240x128xf32, #tpu.memory_space<hbm>> -> memref<640x128xf32, #tpu.memory_space<hbm>>
        tpu.wait_dma2 semaphore(%run_scoped3A : memref<!tpu.dma_semaphore, #tpu.memory_space<semaphore_mem>>) src(%dma_wait3A_25 : memref<640x128xf32, #tpu.memory_space<hbm>>) dst(%dma_wait3A_23 : memref<640x128xf32, #tpu.memory_space<vmem_shared>>)
        tpu.yield
      }) : () -> ()
    } else {
    }
    %barrier3A = arith.constant 0 : index
    tpu.barrier barrier_id(%barrier3A)
    %mul3A_10 = arith.constant 10240 : i32
    %mul3A_11 = arith.muli %add3A, %mul3A_10 : i32
    "tpu.region"() ({
      %run_scoped3A = tpu.sem_alloc : memref<!tpu.dma_semaphore, #tpu.memory_space<semaphore_mem>>
      %dma_start3A = tpu.memref_slice %arg4[%mul3A_11] : memref<327680xi32, #tpu.memory_space<hbm>> -> memref<10240xi32, #tpu.memory_space<hbm>>
      %dma_start3A_20 = tpu.memref_slice %arg4[%mul3A_11] : memref<327680xi32, #tpu.memory_space<hbm>> -> memref<10240xi32, #tpu.memory_space<hbm>>
      tpu.enqueue_dma source(%dma_start3A_20 : memref<10240xi32, #tpu.memory_space<hbm>>) target(%arg7 : memref<10240xi32, #tpu.memory_space<vmem>>) target_semaphore(%run_scoped3A : memref<!tpu.dma_semaphore, #tpu.memory_space<semaphore_mem>>)
      %dma_wait3A = tpu.memref_slice %arg4[%mul3A_11] : memref<327680xi32, #tpu.memory_space<hbm>> -> memref<10240xi32, #tpu.memory_space<hbm>>
      %dma_wait3A_21 = tpu.memref_slice %arg4[%mul3A_11] : memref<327680xi32, #tpu.memory_space<hbm>> -> memref<10240xi32, #tpu.memory_space<hbm>>
      tpu.wait_dma2 semaphore(%run_scoped3A : memref<!tpu.dma_semaphore, #tpu.memory_space<semaphore_mem>>) src(%dma_wait3A_21 : memref<10240xi32, #tpu.memory_space<hbm>>) dst(%arg7 : memref<10240xi32, #tpu.memory_space<vmem>>)
      tpu.yield
    }) : () -> ()
    %mul3A_12 = arith.constant 80 : i32
    %mul3A_13 = arith.muli %add3A, %mul3A_12 : i32
    "tpu.region"() ({
      %run_scoped3A = tpu.sem_alloc : memref<!tpu.dma_semaphore, #tpu.memory_space<semaphore_mem>>
      %dma_start3A = arith.constant 0 : i32
      %dma_start3A_20 = tpu.memref_slice %arg5[%mul3A_13, %dma_start3A] : memref<2560x128xi32, #tpu.memory_space<hbm>> -> memref<80x128xi32, #tpu.memory_space<hbm>>
      %dma_start3A_21 = arith.constant 0 : i32
      %dma_start3A_22 = tpu.memref_slice %arg5[%mul3A_13, %dma_start3A_21] : memref<2560x128xi32, #tpu.memory_space<hbm>> -> memref<80x128xi32, #tpu.memory_space<hbm>>
      tpu.enqueue_dma source(%dma_start3A_22 : memref<80x128xi32, #tpu.memory_space<hbm>>) target(%arg8 : memref<80x128xi32, #tpu.memory_space<vmem>>) target_semaphore(%run_scoped3A : memref<!tpu.dma_semaphore, #tpu.memory_space<semaphore_mem>>)
      %dma_wait3A = arith.constant 0 : i32
      %dma_wait3A_23 = tpu.memref_slice %arg5[%mul3A_13, %dma_wait3A] : memref<2560x128xi32, #tpu.memory_space<hbm>> -> memref<80x128xi32, #tpu.memory_space<hbm>>
      %dma_wait3A_24 = arith.constant 0 : i32
      %dma_wait3A_25 = tpu.memref_slice %arg5[%mul3A_13, %dma_wait3A_24] : memref<2560x128xi32, #tpu.memory_space<hbm>> -> memref<80x128xi32, #tpu.memory_space<hbm>>
      tpu.wait_dma2 semaphore(%run_scoped3A : memref<!tpu.dma_semaphore, #tpu.memory_space<semaphore_mem>>) src(%dma_wait3A_25 : memref<80x128xi32, #tpu.memory_space<hbm>>) dst(%arg8 : memref<80x128xi32, #tpu.memory_space<vmem>>)
      tpu.yield
    }) : () -> ()
    %scan3A = arith.constant 0 : i32
    %scan3A_14 = arith.constant 0 : i32
    %scan3A_15 = arith.constant 80 : i32
    %scan3A_16 = arith.addi %scan3A_14, %scan3A_15 : i32
    %scan3A_17 = arith.constant 1 : i32
    scf.for %scan3A_20 = %scan3A_14 to %scan3A_16 step %scan3A_17  : i32 {
      %mul3A_21 = arith.constant 128 : i32
      %mul3A_22 = arith.muli %scan3A_20, %mul3A_21 : i32
      %dma_start3A = tpu.memref_slice %arg7[%mul3A_22] : memref<10240xi32, #tpu.memory_space<vmem>> -> memref<128xi32, #tpu.memory_space<vmem>>
      %dma_start3A_23 = arith.constant 0 : i32
      %dma_start3A_24 = arith.constant 0 : i32
      %dma_start3A_25 = tpu.memref_slice %arg2[%dma_start3A_23, %dma_start3A_24] : memref<10240x128xf32, #tpu.memory_space<hbm>> -> memref<10240x128xf32, #tpu.memory_space<hbm>>
      tpu.enqueue_indirect_dma source(%dma_start3A_25 : memref<10240x128xf32, #tpu.memory_space<hbm>>) target(%arg9 : memref<128x128xf32, #tpu.memory_space<vmem>>) offsets(%dma_start3A : memref<128xi32, #tpu.memory_space<vmem>>) semaphore(%arg11 : memref<!tpu.dma_semaphore, #tpu.memory_space<semaphore_mem>>)
      %dma_wait3A = tpu.memref_slice %arg7[%mul3A_22] : memref<10240xi32, #tpu.memory_space<vmem>> -> memref<128xi32, #tpu.memory_space<vmem>>
      %dma_wait3A_26 = arith.constant 0 : i32
      %dma_wait3A_27 = arith.constant 0 : i32
      %dma_wait3A_28 = tpu.memref_slice %arg2[%dma_wait3A_26, %dma_wait3A_27] : memref<10240x128xf32, #tpu.memory_space<hbm>> -> memref<10240x128xf32, #tpu.memory_space<hbm>>
      tpu.wait_indirect_dma semaphore(%arg11 : memref<!tpu.dma_semaphore, #tpu.memory_space<semaphore_mem>>) src(%dma_wait3A_28 : memref<10240x128xf32, #tpu.memory_space<hbm>>) dst(%arg9 : memref<128x128xf32, #tpu.memory_space<vmem>>)
      "tpu.region"() ({
        %run_scoped3A = tpu.sem_alloc : memref<!tpu.dma_semaphore, #tpu.memory_space<semaphore_mem>>
        %dma_start3A_29 = arith.constant 0 : i32
        %dma_start3A_30 = tpu.memref_slice %arg8[%scan3A_20, %dma_start3A_29] : memref<80x128xi32, #tpu.memory_space<vmem>> -> memref<1x128xi32, #tpu.memory_space<vmem>>
        %dma_start3A_31 = tpu.memref_squeeze %dma_start3A_30 : memref<1x128xi32, #tpu.memory_space<vmem>> -> memref<128xi32, #tpu.memory_space<vmem>>
        %dma_start3A_32 = arith.constant 0 : i32
        %dma_start3A_33 = arith.constant 0 : i32
        %dma_start3A_34 = tpu.memref_slice %arg10[%dma_start3A_32, %dma_start3A_33] : memref<10240x128xf32, #tpu.memory_space<vmem_shared>> -> memref<10240x128xf32, #tpu.memory_space<vmem_shared>>
        tpu.enqueue_indirect_dma source(%arg9 : memref<128x128xf32, #tpu.memory_space<vmem>>) target(%dma_start3A_34 : memref<10240x128xf32, #tpu.memory_space<vmem_shared>>) offsets(%dma_start3A_31 : memref<128xi32, #tpu.memory_space<vmem>>) semaphore(%run_scoped3A : memref<!tpu.dma_semaphore, #tpu.memory_space<semaphore_mem>>) {add = true}
        %dma_wait3A_35 = arith.constant 0 : i32
        %dma_wait3A_36 = tpu.memref_slice %arg8[%scan3A_20, %dma_wait3A_35] : memref<80x128xi32, #tpu.memory_space<vmem>> -> memref<1x128xi32, #tpu.memory_space<vmem>>
        %dma_wait3A_37 = tpu.memref_squeeze %dma_wait3A_36 : memref<1x128xi32, #tpu.memory_space<vmem>> -> memref<128xi32, #tpu.memory_space<vmem>>
        %dma_wait3A_38 = arith.constant 0 : i32
        %dma_wait3A_39 = arith.constant 0 : i32
        %dma_wait3A_40 = tpu.memref_slice %arg10[%dma_wait3A_38, %dma_wait3A_39] : memref<10240x128xf32, #tpu.memory_space<vmem_shared>> -> memref<10240x128xf32, #tpu.memory_space<vmem_shared>>
        tpu.wait_indirect_dma semaphore(%run_scoped3A : memref<!tpu.dma_semaphore, #tpu.memory_space<semaphore_mem>>) src(%arg9 : memref<128x128xf32, #tpu.memory_space<vmem>>) dst(%dma_wait3A_40 : memref<10240x128xf32, #tpu.memory_space<vmem_shared>>)
        tpu.yield
      }) : () -> ()
    }
    %scan3A_18 = arith.constant 80 : i32
    %barrier3A_19 = arith.constant 0 : index
    tpu.barrier barrier_id(%barrier3A_19)
    "tpu.region"() ({
      %run_scoped3A = tpu.sem_alloc : memref<!tpu.dma_semaphore, #tpu.memory_space<semaphore_mem>>
      %dma_start3A = arith.constant 0 : i32
      %dma_start3A_20 = arith.constant 0 : i32
      %dma_start3A_21 = tpu.memref_slice %arg6[%arg0, %dma_start3A, %dma_start3A_20] : memref<2x10240x128xf32, #tpu.memory_space<hbm>> -> memref<1x10240x128xf32, #tpu.memory_space<hbm>>
      %dma_start3A_22 = tpu.memref_squeeze %dma_start3A_21 : memref<1x10240x128xf32, #tpu.memory_space<hbm>> -> memref<10240x128xf32, #tpu.memory_space<hbm>>
      %dma_start3A_23 = arith.constant 0 : i32
      %dma_start3A_24 = tpu.memref_slice %dma_start3A_22[%mul3A_2, %dma_start3A_23] : memref<10240x128xf32, #tpu.memory_space<hbm>> -> memref<640x128xf32, #tpu.memory_space<hbm>>
      %dma_start3A_25 = arith.constant 0 : i32
      %dma_start3A_26 = tpu.memref_slice %arg10[%mul3A_2, %dma_start3A_25] : memref<10240x128xf32, #tpu.memory_space<vmem_shared>> -> memref<640x128xf32, #tpu.memory_space<vmem_shared>>
      tpu.enqueue_dma source(%dma_start3A_26 : memref<640x128xf32, #tpu.memory_space<vmem_shared>>) target(%dma_start3A_24 : memref<640x128xf32, #tpu.memory_space<hbm>>) target_semaphore(%run_scoped3A : memref<!tpu.dma_semaphore, #tpu.memory_space<semaphore_mem>>)
      %dma_wait3A = arith.constant 0 : i32
      %dma_wait3A_27 = arith.constant 0 : i32
      %dma_wait3A_28 = tpu.memref_slice %arg6[%arg0, %dma_wait3A, %dma_wait3A_27] : memref<2x10240x128xf32, #tpu.memory_space<hbm>> -> memref<1x10240x128xf32, #tpu.memory_space<hbm>>
      %dma_wait3A_29 = tpu.memref_squeeze %dma_wait3A_28 : memref<1x10240x128xf32, #tpu.memory_space<hbm>> -> memref<10240x128xf32, #tpu.memory_space<hbm>>
      %dma_wait3A_30 = arith.constant 0 : i32
      %dma_wait3A_31 = tpu.memref_slice %dma_wait3A_29[%mul3A_2, %dma_wait3A_30] : memref<10240x128xf32, #tpu.memory_space<hbm>> -> memref<640x128xf32, #tpu.memory_space<hbm>>
      %dma_wait3A_32 = arith.constant 0 : i32
      %dma_wait3A_33 = tpu.memref_slice %arg10[%mul3A_2, %dma_wait3A_32] : memref<10240x128xf32, #tpu.memory_space<vmem_shared>> -> memref<640x128xf32, #tpu.memory_space<vmem_shared>>
      tpu.wait_dma2 semaphore(%run_scoped3A : memref<!tpu.dma_semaphore, #tpu.memory_space<semaphore_mem>>) src(%dma_wait3A_33 : memref<640x128xf32, #tpu.memory_space<vmem_shared>>) dst(%dma_wait3A_31 : memref<640x128xf32, #tpu.memory_space<hbm>>)
      tpu.yield
    }) : () -> ()
    return
  }
}

#map = affine_map<(d0, d1) -> (0, 0)>
#map1 = affine_map<(d0, d1) -> (0)>
#map2 = affine_map<(d0, d1) -> (0, 0, 0)>
module attributes {stable_mosaic.version = 14 : i64} {
  func.func @_sc_scatter(%arg0: i32, %arg1: i32, %arg2: memref<10240x128xf32, #tpu.memory_space<hbm>>, %arg3: memref<10240x128xf32, #tpu.memory_space<hbm>>, %arg4: memref<327680xi32, #tpu.memory_space<hbm>>, %arg5: memref<2560x128xi32, #tpu.memory_space<hbm>>, %arg6: memref<2x10240x128xf32, #tpu.memory_space<hbm>>, %arg7: memref<10240xi32, #tpu.memory_space<vmem>>, %arg8: memref<80x128xi32, #tpu.memory_space<vmem>>, %arg9: memref<128x128xf32, #tpu.memory_space<vmem>>, %arg10: memref<10240x128xf32, #tpu.memory_space<vmem_shared>>, %arg11: memref<!tpu.dma_semaphore, #tpu.memory_space<semaphore_mem>>) attributes {dimension_semantics = [#tpu.dimension_semantics<core_parallel>, #tpu.dimension_semantics<subcore_parallel>], iteration_bounds = array<i64: 2, 16>, scalar_prefetch = 0 : i64, scratch_operands = 5 : i64, tpu.core_type = #tpu.core_type<sc_vector_subcore>, window_params = [{transform_indices = #map}, {transform_indices = #map}, {transform_indices = #map1}, {transform_indices = #map}, {transform_indices = #map2}]} {
    %mul3A = arith.constant 2 : i32
    %mul3A_0 = arith.muli %arg1, %mul3A : i32
    %add3A = arith.addi %mul3A_0, %arg0 : i32
    %mul3A_1 = arith.constant 640 : i32
    %mul3A_2 = arith.muli %arg1, %mul3A_1 : i32
    %eq3A = arith.constant 0 : i32
    %eq3A_3 = arith.cmpi eq, %arg0, %eq3A : i32
    %convert_element_type3A = arith.extui %eq3A_3 : i1 to i32
    %cond3A = arith.constant 0 : i32
    %cond3A_4 = arith.cmpi ne, %convert_element_type3A, %cond3A : i32
    scf.if %cond3A_4 {
      "tpu.region"() ({
        %run_scoped3A = tpu.sem_alloc : memref<!tpu.dma_semaphore, #tpu.memory_space<semaphore_mem>>
        %dma_start3A = arith.constant 0 : i32
        %dma_start3A_20 = tpu.memref_slice %arg10[%mul3A_2, %dma_start3A] : memref<10240x128xf32, #tpu.memory_space<vmem_shared>> -> memref<640x128xf32, #tpu.memory_space<vmem_shared>>
        %dma_start3A_21 = arith.constant 0 : i32
        %dma_start3A_22 = tpu.memref_slice %arg2[%mul3A_2, %dma_start3A_21] : memref<10240x128xf32, #tpu.memory_space<hbm>> -> memref<640x128xf32, #tpu.memory_space<hbm>>
        tpu.enqueue_dma source(%dma_start3A_22 : memref<640x128xf32, #tpu.memory_space<hbm>>) target(%dma_start3A_20 : memref<640x128xf32, #tpu.memory_space<vmem_shared>>) target_semaphore(%run_scoped3A : memref<!tpu.dma_semaphore, #tpu.memory_space<semaphore_mem>>)
        %dma_wait3A = arith.constant 0 : i32
        %dma_wait3A_23 = tpu.memref_slice %arg10[%mul3A_2, %dma_wait3A] : memref<10240x128xf32, #tpu.memory_space<vmem_shared>> -> memref<640x128xf32, #tpu.memory_space<vmem_shared>>
        %dma_wait3A_24 = arith.constant 0 : i32
        %dma_wait3A_25 = tpu.memref_slice %arg2[%mul3A_2, %dma_wait3A_24] : memref<10240x128xf32, #tpu.memory_space<hbm>> -> memref<640x128xf32, #tpu.memory_space<hbm>>
        tpu.wait_dma2 semaphore(%run_scoped3A : memref<!tpu.dma_semaphore, #tpu.memory_space<semaphore_mem>>) src(%dma_wait3A_25 : memref<640x128xf32, #tpu.memory_space<hbm>>) dst(%dma_wait3A_23 : memref<640x128xf32, #tpu.memory_space<vmem_shared>>)
        tpu.yield
      }) : () -> ()
    } else {
    }
    %eq3A_5 = arith.constant 1 : i32
    %eq3A_6 = arith.cmpi eq, %arg0, %eq3A_5 : i32
    %convert_element_type3A_7 = arith.extui %eq3A_6 : i1 to i32
    %cond3A_8 = arith.constant 0 : i32
    %cond3A_9 = arith.cmpi ne, %convert_element_type3A_7, %cond3A_8 : i32
    scf.if %cond3A_9 {
      "tpu.region"() ({
        %run_scoped3A = tpu.sem_alloc : memref<!tpu.dma_semaphore, #tpu.memory_space<semaphore_mem>>
        %dma_start3A = arith.constant 0 : i32
        %dma_start3A_20 = tpu.memref_slice %arg10[%mul3A_2, %dma_start3A] : memref<10240x128xf32, #tpu.memory_space<vmem_shared>> -> memref<640x128xf32, #tpu.memory_space<vmem_shared>>
        %dma_start3A_21 = arith.constant 0 : i32
        %dma_start3A_22 = tpu.memref_slice %arg3[%mul3A_2, %dma_start3A_21] : memref<10240x128xf32, #tpu.memory_space<hbm>> -> memref<640x128xf32, #tpu.memory_space<hbm>>
        tpu.enqueue_dma source(%dma_start3A_22 : memref<640x128xf32, #tpu.memory_space<hbm>>) target(%dma_start3A_20 : memref<640x128xf32, #tpu.memory_space<vmem_shared>>) target_semaphore(%run_scoped3A : memref<!tpu.dma_semaphore, #tpu.memory_space<semaphore_mem>>)
        %dma_wait3A = arith.constant 0 : i32
        %dma_wait3A_23 = tpu.memref_slice %arg10[%mul3A_2, %dma_wait3A] : memref<10240x128xf32, #tpu.memory_space<vmem_shared>> -> memref<640x128xf32, #tpu.memory_space<vmem_shared>>
        %dma_wait3A_24 = arith.constant 0 : i32
        %dma_wait3A_25 = tpu.memref_slice %arg3[%mul3A_2, %dma_wait3A_24] : memref<10240x128xf32, #tpu.memory_space<hbm>> -> memref<640x128xf32, #tpu.memory_space<hbm>>
        tpu.wait_dma2 semaphore(%run_scoped3A : memref<!tpu.dma_semaphore, #tpu.memory_space<semaphore_mem>>) src(%dma_wait3A_25 : memref<640x128xf32, #tpu.memory_space<hbm>>) dst(%dma_wait3A_23 : memref<640x128xf32, #tpu.memory_space<vmem_shared>>)
        tpu.yield
      }) : () -> ()
    } else {
    }
    %barrier3A = arith.constant 0 : index
    tpu.barrier barrier_id(%barrier3A)
    %mul3A_10 = arith.constant 10240 : i32
    %mul3A_11 = arith.muli %add3A, %mul3A_10 : i32
    "tpu.region"() ({
      %run_scoped3A = tpu.sem_alloc : memref<!tpu.dma_semaphore, #tpu.memory_space<semaphore_mem>>
      %dma_start3A = tpu.memref_slice %arg4[%mul3A_11] : memref<327680xi32, #tpu.memory_space<hbm>> -> memref<10240xi32, #tpu.memory_space<hbm>>
      %dma_start3A_20 = tpu.memref_slice %arg4[%mul3A_11] : memref<327680xi32, #tpu.memory_space<hbm>> -> memref<10240xi32, #tpu.memory_space<hbm>>
      tpu.enqueue_dma source(%dma_start3A_20 : memref<10240xi32, #tpu.memory_space<hbm>>) target(%arg7 : memref<10240xi32, #tpu.memory_space<vmem>>) target_semaphore(%run_scoped3A : memref<!tpu.dma_semaphore, #tpu.memory_space<semaphore_mem>>)
      %dma_wait3A = tpu.memref_slice %arg4[%mul3A_11] : memref<327680xi32, #tpu.memory_space<hbm>> -> memref<10240xi32, #tpu.memory_space<hbm>>
      %dma_wait3A_21 = tpu.memref_slice %arg4[%mul3A_11] : memref<327680xi32, #tpu.memory_space<hbm>> -> memref<10240xi32, #tpu.memory_space<hbm>>
      tpu.wait_dma2 semaphore(%run_scoped3A : memref<!tpu.dma_semaphore, #tpu.memory_space<semaphore_mem>>) src(%dma_wait3A_21 : memref<10240xi32, #tpu.memory_space<hbm>>) dst(%arg7 : memref<10240xi32, #tpu.memory_space<vmem>>)
      tpu.yield
    }) : () -> ()
    %mul3A_12 = arith.constant 80 : i32
    %mul3A_13 = arith.muli %add3A, %mul3A_12 : i32
    "tpu.region"() ({
      %run_scoped3A = tpu.sem_alloc : memref<!tpu.dma_semaphore, #tpu.memory_space<semaphore_mem>>
      %dma_start3A = arith.constant 0 : i32
      %dma_start3A_20 = tpu.memref_slice %arg5[%mul3A_13, %dma_start3A] : memref<2560x128xi32, #tpu.memory_space<hbm>> -> memref<80x128xi32, #tpu.memory_space<hbm>>
      %dma_start3A_21 = arith.constant 0 : i32
      %dma_start3A_22 = tpu.memref_slice %arg5[%mul3A_13, %dma_start3A_21] : memref<2560x128xi32, #tpu.memory_space<hbm>> -> memref<80x128xi32, #tpu.memory_space<hbm>>
      tpu.enqueue_dma source(%dma_start3A_22 : memref<80x128xi32, #tpu.memory_space<hbm>>) target(%arg8 : memref<80x128xi32, #tpu.memory_space<vmem>>) target_semaphore(%run_scoped3A : memref<!tpu.dma_semaphore, #tpu.memory_space<semaphore_mem>>)
      %dma_wait3A = arith.constant 0 : i32
      %dma_wait3A_23 = tpu.memref_slice %arg5[%mul3A_13, %dma_wait3A] : memref<2560x128xi32, #tpu.memory_space<hbm>> -> memref<80x128xi32, #tpu.memory_space<hbm>>
      %dma_wait3A_24 = arith.constant 0 : i32
      %dma_wait3A_25 = tpu.memref_slice %arg5[%mul3A_13, %dma_wait3A_24] : memref<2560x128xi32, #tpu.memory_space<hbm>> -> memref<80x128xi32, #tpu.memory_space<hbm>>
      tpu.wait_dma2 semaphore(%run_scoped3A : memref<!tpu.dma_semaphore, #tpu.memory_space<semaphore_mem>>) src(%dma_wait3A_25 : memref<80x128xi32, #tpu.memory_space<hbm>>) dst(%arg8 : memref<80x128xi32, #tpu.memory_space<vmem>>)
      tpu.yield
    }) : () -> ()
    %scan3A = arith.constant 0 : i32
    %scan3A_14 = arith.constant 0 : i32
    %scan3A_15 = arith.constant 80 : i32
    %scan3A_16 = arith.addi %scan3A_14, %scan3A_15 : i32
    %scan3A_17 = arith.constant 1 : i32
    scf.for %scan3A_20 = %scan3A_14 to %scan3A_16 step %scan3A_17  : i32 {
      %mul3A_21 = arith.constant 128 : i32
      %mul3A_22 = arith.muli %scan3A_20, %mul3A_21 : i32
      %dma_start3A = tpu.memref_slice %arg7[%mul3A_22] : memref<10240xi32, #tpu.memory_space<vmem>> -> memref<128xi32, #tpu.memory_space<vmem>>
      %dma_start3A_23 = arith.constant 0 : i32
      %dma_start3A_24 = arith.constant 0 : i32
      %dma_start3A_25 = tpu.memref_slice %arg2[%dma_start3A_23, %dma_start3A_24] : memref<10240x128xf32, #tpu.memory_space<hbm>> -> memref<10240x128xf32, #tpu.memory_space<hbm>>
      tpu.enqueue_indirect_dma source(%dma_start3A_25 : memref<10240x128xf32, #tpu.memory_space<hbm>>) target(%arg9 : memref<128x128xf32, #tpu.memory_space<vmem>>) offsets(%dma_start3A : memref<128xi32, #tpu.memory_space<vmem>>) semaphore(%arg11 : memref<!tpu.dma_semaphore, #tpu.memory_space<semaphore_mem>>)
      %dma_wait3A = tpu.memref_slice %arg7[%mul3A_22] : memref<10240xi32, #tpu.memory_space<vmem>> -> memref<128xi32, #tpu.memory_space<vmem>>
      %dma_wait3A_26 = arith.constant 0 : i32
      %dma_wait3A_27 = arith.constant 0 : i32
      %dma_wait3A_28 = tpu.memref_slice %arg2[%dma_wait3A_26, %dma_wait3A_27] : memref<10240x128xf32, #tpu.memory_space<hbm>> -> memref<10240x128xf32, #tpu.memory_space<hbm>>
      tpu.wait_indirect_dma semaphore(%arg11 : memref<!tpu.dma_semaphore, #tpu.memory_space<semaphore_mem>>) src(%dma_wait3A_28 : memref<10240x128xf32, #tpu.memory_space<hbm>>) dst(%arg9 : memref<128x128xf32, #tpu.memory_space<vmem>>)
      "tpu.region"() ({
        %run_scoped3A = tpu.sem_alloc : memref<!tpu.dma_semaphore, #tpu.memory_space<semaphore_mem>>
        %dma_start3A_29 = arith.constant 0 : i32
        %dma_start3A_30 = tpu.memref_slice %arg8[%scan3A_20, %dma_start3A_29] : memref<80x128xi32, #tpu.memory_space<vmem>> -> memref<1x128xi32, #tpu.memory_space<vmem>>
        %dma_start3A_31 = tpu.memref_squeeze %dma_start3A_30 : memref<1x128xi32, #tpu.memory_space<vmem>> -> memref<128xi32, #tpu.memory_space<vmem>>
        %dma_start3A_32 = arith.constant 0 : i32
        %dma_start3A_33 = arith.constant 0 : i32
        %dma_start3A_34 = tpu.memref_slice %arg10[%dma_start3A_32, %dma_start3A_33] : memref<10240x128xf32, #tpu.memory_space<vmem_shared>> -> memref<10240x128xf32, #tpu.memory_space<vmem_shared>>
        tpu.enqueue_indirect_dma source(%arg9 : memref<128x128xf32, #tpu.memory_space<vmem>>) target(%dma_start3A_34 : memref<10240x128xf32, #tpu.memory_space<vmem_shared>>) offsets(%dma_start3A_31 : memref<128xi32, #tpu.memory_space<vmem>>) semaphore(%run_scoped3A : memref<!tpu.dma_semaphore, #tpu.memory_space<semaphore_mem>>) {add = true}
        %dma_wait3A_35 = arith.constant 0 : i32
        %dma_wait3A_36 = tpu.memref_slice %arg8[%scan3A_20, %dma_wait3A_35] : memref<80x128xi32, #tpu.memory_space<vmem>> -> memref<1x128xi32, #tpu.memory_space<vmem>>
        %dma_wait3A_37 = tpu.memref_squeeze %dma_wait3A_36 : memref<1x128xi32, #tpu.memory_space<vmem>> -> memref<128xi32, #tpu.memory_space<vmem>>
        %dma_wait3A_38 = arith.constant 0 : i32
        %dma_wait3A_39 = arith.constant 0 : i32
        %dma_wait3A_40 = tpu.memref_slice %arg10[%dma_wait3A_38, %dma_wait3A_39] : memref<10240x128xf32, #tpu.memory_space<vmem_shared>> -> memref<10240x128xf32, #tpu.memory_space<vmem_shared>>
        tpu.wait_indirect_dma semaphore(%run_scoped3A : memref<!tpu.dma_semaphore, #tpu.memory_space<semaphore_mem>>) src(%arg9 : memref<128x128xf32, #tpu.memory_space<vmem>>) dst(%dma_wait3A_40 : memref<10240x128xf32, #tpu.memory_space<vmem_shared>>)
        tpu.yield
      }) : () -> ()
    }
    %scan3A_18 = arith.constant 80 : i32
    %barrier3A_19 = arith.constant 0 : index
    tpu.barrier barrier_id(%barrier3A_19)
    "tpu.region"() ({
      %run_scoped3A = tpu.sem_alloc : memref<!tpu.dma_semaphore, #tpu.memory_space<semaphore_mem>>
      %dma_start3A = arith.constant 0 : i32
      %dma_start3A_20 = arith.constant 0 : i32
      %dma_start3A_21 = tpu.memref_slice %arg6[%arg0, %dma_start3A, %dma_start3A_20] : memref<2x10240x128xf32, #tpu.memory_space<hbm>> -> memref<1x10240x128xf32, #tpu.memory_space<hbm>>
      %dma_start3A_22 = tpu.memref_squeeze %dma_start3A_21 : memref<1x10240x128xf32, #tpu.memory_space<hbm>> -> memref<10240x128xf32, #tpu.memory_space<hbm>>
      %dma_start3A_23 = arith.constant 0 : i32
      %dma_start3A_24 = tpu.memref_slice %dma_start3A_22[%mul3A_2, %dma_start3A_23] : memref<10240x128xf32, #tpu.memory_space<hbm>> -> memref<640x128xf32, #tpu.memory_space<hbm>>
      %dma_start3A_25 = arith.constant 0 : i32
      %dma_start3A_26 = tpu.memref_slice %arg10[%mul3A_2, %dma_start3A_25] : memref<10240x128xf32, #tpu.memory_space<vmem_shared>> -> memref<640x128xf32, #tpu.memory_space<vmem_shared>>
      tpu.enqueue_dma source(%dma_start3A_26 : memref<640x128xf32, #tpu.memory_space<vmem_shared>>) target(%dma_start3A_24 : memref<640x128xf32, #tpu.memory_space<hbm>>) target_semaphore(%run_scoped3A : memref<!tpu.dma_semaphore, #tpu.memory_space<semaphore_mem>>)
      %dma_wait3A = arith.constant 0 : i32
      %dma_wait3A_27 = arith.constant 0 : i32
      %dma_wait3A_28 = tpu.memref_slice %arg6[%arg0, %dma_wait3A, %dma_wait3A_27] : memref<2x10240x128xf32, #tpu.memory_space<hbm>> -> memref<1x10240x128xf32, #tpu.memory_space<hbm>>
      %dma_wait3A_29 = tpu.memref_squeeze %dma_wait3A_28 : memref<1x10240x128xf32, #tpu.memory_space<hbm>> -> memref<10240x128xf32, #tpu.memory_space<hbm>>
      %dma_wait3A_30 = arith.constant 0 : i32
      %dma_wait3A_31 = tpu.memref_slice %dma_wait3A_29[%mul3A_2, %dma_wait3A_30] : memref<10240x128xf32, #tpu.memory_space<hbm>> -> memref<640x128xf32, #tpu.memory_space<hbm>>
      %dma_wait3A_32 = arith.constant 0 : i32
      %dma_wait3A_33 = tpu.memref_slice %arg10[%mul3A_2, %dma_wait3A_32] : memref<10240x128xf32, #tpu.memory_space<vmem_shared>> -> memref<640x128xf32, #tpu.memory_space<vmem_shared>>
      tpu.wait_dma2 semaphore(%run_scoped3A : memref<!tpu.dma_semaphore, #tpu.memory_space<semaphore_mem>>) src(%dma_wait3A_33 : memref<640x128xf32, #tpu.memory_space<vmem_shared>>) dst(%dma_wait3A_31 : memref<640x128xf32, #tpu.memory_space<hbm>>)
      tpu.yield
    }) : () -> ()
    return
  }
}

module attributes {stable_mosaic.version = 14 : i64} {
  func.func @_linear_body(%arg0: i32, %arg1: memref<640x128xf32, #tpu.memory_space<vmem>>, %arg2: memref<128x128xf32, #tpu.memory_space<vmem>>, %arg3: memref<1x128xf32, #tpu.memory_space<vmem>>, %arg4: memref<1xf32, #tpu.memory_space<smem>>, %arg5: memref<640x128xf32, #tpu.memory_space<vmem>>) attributes {dimension_semantics = [#tpu.dimension_semantics<arbitrary>], iteration_bounds = array<i64: 16>, scalar_prefetch = 0 : i64, scratch_operands = 0 : i64, tpu.core_type = #tpu.core_type<tc>, window_params = [{transform_indices = @transform_0, window_bounds = array<i64: 640, 128>}, {pipeline_mode = #tpu.pipeline_mode<synchronous>, transform_indices = @transform_1, window_bounds = array<i64: 128, 128>}, {pipeline_mode = #tpu.pipeline_mode<synchronous>, transform_indices = @transform_2, window_bounds = array<i64: 1, 128>}, {transform_indices = @transform_3, window_bounds = array<i64: 1>}, {transform_indices = @transform_4, window_bounds = array<i64: 640, 128>}]} {
    %get3A = arith.constant 0 : index
    %get3A_0 = arith.constant 0 : index
    %get3A_1 = vector.load %arg1[%get3A, %get3A_0] : memref<640x128xf32, #tpu.memory_space<vmem>>, vector<640x128xf32>
    %get3A_2 = arith.constant 0 : index
    %get3A_3 = arith.constant 0 : index
    %get3A_4 = vector.load %arg2[%get3A_2, %get3A_3] : memref<128x128xf32, #tpu.memory_space<vmem>>, vector<128x128xf32>
    %dot_general3A = arith.constant dense<0.000000e+00> : vector<640x128xf32>
    %dot_general3A_5 = tpu.matmul %get3A_1, %get3A_4, %dot_general3A {dimension_numbers = #tpu.dot_dimension_numbers<[1], [1], [0], [0], [0, 0, 1, 0], [], []>, transpose_lhs_hint = false} : vector<640x128xf32>, vector<128x128xf32>, vector<640x128xf32> -> vector<640x128xf32>
    %get3A_6 = arith.constant 0 : index
    %get3A_7 = arith.constant 0 : index
    %get3A_8 = vector.load %arg3[%get3A_6, %get3A_7] : memref<1x128xf32, #tpu.memory_space<vmem>>, vector<1x128xf32>
    %add3A = vector.broadcast %get3A_8 : vector<1x128xf32> to vector<640x128xf32>
    %add3A_9 = arith.addf %dot_general3A_5, %add3A : vector<640x128xf32>
    %get3A_10 = arith.constant 0 : index
    %get3A_11 = memref.load %arg4[%get3A_10] : memref<1xf32, #tpu.memory_space<smem>>
    %mul3A = vector.broadcast %get3A_11 : f32 to vector<640x128xf32>
    %mul3A_12 = arith.mulf %add3A_9, %mul3A : vector<640x128xf32>
    %swap3A = arith.constant 0 : index
    %swap3A_13 = arith.constant 0 : index
    %swap3A_14 = vector.load %arg5[%swap3A, %swap3A_13] : memref<640x128xf32, #tpu.memory_space<vmem>>, vector<640x128xf32>
    tpu.vector_store %arg5[%swap3A, %swap3A_13], %mul3A_12 {strides = array<i32>} : memref<640x128xf32, #tpu.memory_space<vmem>>, vector<640x128xf32>,
    return
  }
  func.func @transform_0(%arg0: i32) -> (i32, i32) {
    %c0_i32 = arith.constant 0 : i32
    %c0_i32_0 = arith.constant 0 : i32
    return %arg0, %c0_i32 : i32, i32
  }
  func.func @transform_1(%arg0: i32) -> (i32, i32) {
    %c0_i32 = arith.constant 0 : i32
    %c0_i32_0 = arith.constant 0 : i32
    %c0_i32_1 = arith.constant 0 : i32
    return %c0_i32, %c0_i32_0 : i32, i32
  }
  func.func @transform_2(%arg0: i32) -> (i32, i32) {
    %c0_i32 = arith.constant 0 : i32
    %c0_i32_0 = arith.constant 0 : i32
    %c0_i32_1 = arith.constant 0 : i32
    return %c0_i32, %c0_i32_0 : i32, i32
  }
  func.func @transform_3(%arg0: i32) -> i32 {
    %c0_i32 = arith.constant 0 : i32
    %c0_i32_0 = arith.constant 0 : i32
    return %c0_i32 : i32
  }
  func.func @transform_4(%arg0: i32) -> (i32, i32) {
    %c0_i32 = arith.constant 0 : i32
    %c0_i32_0 = arith.constant 0 : i32
    return %arg0, %c0_i32 : i32, i32
  }
}

module attributes {stable_mosaic.version = 14 : i64} {
  func.func @_mid_body(%arg0: i32, %arg1: memref<2x640x128xf32, #tpu.memory_space<vmem>>, %arg2: memref<128x128xf32, #tpu.memory_space<vmem>>, %arg3: memref<1x128xf32, #tpu.memory_space<vmem>>, %arg4: memref<1xf32, #tpu.memory_space<smem>>, %arg5: memref<640x128xf32, #tpu.memory_space<vmem>>) attributes {dimension_semantics = [#tpu.dimension_semantics<arbitrary>], iteration_bounds = array<i64: 16>, scalar_prefetch = 0 : i64, scratch_operands = 0 : i64, tpu.core_type = #tpu.core_type<tc>, window_params = [{transform_indices = @transform_0, window_bounds = array<i64: 2, 640, 128>}, {pipeline_mode = #tpu.pipeline_mode<synchronous>, transform_indices = @transform_1, window_bounds = array<i64: 128, 128>}, {pipeline_mode = #tpu.pipeline_mode<synchronous>, transform_indices = @transform_2, window_bounds = array<i64: 1, 128>}, {transform_indices = @transform_3, window_bounds = array<i64: 1>}, {transform_indices = @transform_4, window_bounds = array<i64: 640, 128>}]} {
    %get3A = arith.constant 0 : index
    %get3A_0 = arith.constant 0 : index
    %get3A_1 = arith.constant 0 : index
    %get3A_2 = vector.load %arg1[%get3A, %get3A_0, %get3A_1] : memref<2x640x128xf32, #tpu.memory_space<vmem>>, vector<1x640x128xf32>
    %get3A_3 = vector.shape_cast %get3A_2 : vector<1x640x128xf32> to vector<640x128xf32>
    %get3A_4 = arith.constant 1 : index
    %get3A_5 = arith.constant 0 : index
    %get3A_6 = arith.constant 0 : index
    %get3A_7 = vector.load %arg1[%get3A_4, %get3A_5, %get3A_6] : memref<2x640x128xf32, #tpu.memory_space<vmem>>, vector<1x640x128xf32>
    %get3A_8 = vector.shape_cast %get3A_7 : vector<1x640x128xf32> to vector<640x128xf32>
    %add3A = arith.addf %get3A_3, %get3A_8 : vector<640x128xf32>
    %max3A = arith.constant 0.000000e+00 : f32
    %max3A_9 = vector.broadcast %max3A : f32 to vector<640x128xf32>
    %max3A_10 = arith.maximumf %add3A, %max3A_9 : vector<640x128xf32>
    %get3A_11 = arith.constant 0 : index
    %get3A_12 = arith.constant 0 : index
    %get3A_13 = vector.load %arg2[%get3A_11, %get3A_12] : memref<128x128xf32, #tpu.memory_space<vmem>>, vector<128x128xf32>
    %dot_general3A = arith.constant dense<0.000000e+00> : vector<640x128xf32>
    %dot_general3A_14 = tpu.matmul %max3A_10, %get3A_13, %dot_general3A {dimension_numbers = #tpu.dot_dimension_numbers<[1], [1], [0], [0], [0, 0, 1, 0], [], []>, transpose_lhs_hint = false} : vector<640x128xf32>, vector<128x128xf32>, vector<640x128xf32> -> vector<640x128xf32>
    %get3A_15 = arith.constant 0 : index
    %get3A_16 = arith.constant 0 : index
    %get3A_17 = vector.load %arg3[%get3A_15, %get3A_16] : memref<1x128xf32, #tpu.memory_space<vmem>>, vector<1x128xf32>
    %add3A_18 = vector.broadcast %get3A_17 : vector<1x128xf32> to vector<640x128xf32>
    %add3A_19 = arith.addf %dot_general3A_14, %add3A_18 : vector<640x128xf32>
    %get3A_20 = arith.constant 0 : index
    %get3A_21 = memref.load %arg4[%get3A_20] : memref<1xf32, #tpu.memory_space<smem>>
    %mul3A = vector.broadcast %get3A_21 : f32 to vector<640x128xf32>
    %mul3A_22 = arith.mulf %add3A_19, %mul3A : vector<640x128xf32>
    %swap3A = arith.constant 0 : index
    %swap3A_23 = arith.constant 0 : index
    %swap3A_24 = vector.load %arg5[%swap3A, %swap3A_23] : memref<640x128xf32, #tpu.memory_space<vmem>>, vector<640x128xf32>
    tpu.vector_store %arg5[%swap3A, %swap3A_23], %mul3A_22 {strides = array<i32>} : memref<640x128xf32, #tpu.memory_space<vmem>>, vector<640x128xf32>,
    return
  }
  func.func @transform_0(%arg0: i32) -> (i32, i32, i32) {
    %c0_i32 = arith.constant 0 : i32
    %c0_i32_0 = arith.constant 0 : i32
    %c0_i32_1 = arith.constant 0 : i32
    return %c0_i32, %arg0, %c0_i32_0 : i32, i32, i32
  }
  func.func @transform_1(%arg0: i32) -> (i32, i32) {
    %c0_i32 = arith.constant 0 : i32
    %c0_i32_0 = arith.constant 0 : i32
    %c0_i32_1 = arith.constant 0 : i32
    return %c0_i32, %c0_i32_0 : i32, i32
  }
  func.func @transform_2(%arg0: i32) -> (i32, i32) {
    %c0_i32 = arith.constant 0 : i32
    %c0_i32_0 = arith.constant 0 : i32
    %c0_i32_1 = arith.constant 0 : i32
    return %c0_i32, %c0_i32_0 : i32, i32
  }
  func.func @transform_3(%arg0: i32) -> i32 {
    %c0_i32 = arith.constant 0 : i32
    %c0_i32_0 = arith.constant 0 : i32
    return %c0_i32 : i32
  }
  func.func @transform_4(%arg0: i32) -> (i32, i32) {
    %c0_i32 = arith.constant 0 : i32
    %c0_i32_0 = arith.constant 0 : i32
    return %arg0, %c0_i32 : i32, i32
  }
}

module attributes {stable_mosaic.version = 14 : i64} {
  func.func @_final_body(%arg0: i32, %arg1: memref<2x2000x128xf32, #tpu.memory_space<vmem>>, %arg2: memref<2000x128xf32, #tpu.memory_space<vmem>>) attributes {dimension_semantics = [#tpu.dimension_semantics<arbitrary>], iteration_bounds = array<i64: 5>, scalar_prefetch = 0 : i64, scratch_operands = 0 : i64, tpu.core_type = #tpu.core_type<tc>, window_params = [{transform_indices = @transform_0, window_bounds = array<i64: 2, 2000, 128>}, {transform_indices = @transform_1, window_bounds = array<i64: 2000, 128>}]} {
    %get3A = arith.constant 0 : index
    %get3A_0 = arith.constant 0 : index
    %get3A_1 = arith.constant 0 : index
    %get3A_2 = vector.load %arg1[%get3A, %get3A_0, %get3A_1] : memref<2x2000x128xf32, #tpu.memory_space<vmem>>, vector<1x2000x128xf32>
    %get3A_3 = vector.shape_cast %get3A_2 : vector<1x2000x128xf32> to vector<2000x128xf32>
    %get3A_4 = arith.constant 1 : index
    %get3A_5 = arith.constant 0 : index
    %get3A_6 = arith.constant 0 : index
    %get3A_7 = vector.load %arg1[%get3A_4, %get3A_5, %get3A_6] : memref<2x2000x128xf32, #tpu.memory_space<vmem>>, vector<1x2000x128xf32>
    %get3A_8 = vector.shape_cast %get3A_7 : vector<1x2000x128xf32> to vector<2000x128xf32>
    %add3A = arith.addf %get3A_3, %get3A_8 : vector<2000x128xf32>
    %reduce_max3A = arith.constant dense<0xFF800000> : vector<2000xf32>
    %reduce_max3A_9 = vector.multi_reduction <maximumf>, %add3A, %reduce_max3A [1] : vector<2000x128xf32> to vector<2000xf32>
    %broadcast_in_dim3A = vector.shape_cast %reduce_max3A_9 : vector<2000xf32> to vector<2000x1xf32>
    %sub3A = vector.broadcast %broadcast_in_dim3A : vector<2000x1xf32> to vector<2000x128xf32>
    %sub3A_10 = arith.subf %add3A, %sub3A : vector<2000x128xf32>
    %exp3A = math.exp %sub3A_10 : vector<2000x128xf32>
    %reduce_sum3A = arith.constant dense<0.000000e+00> : vector<2000xf32>
    %reduce_sum3A_11 = vector.multi_reduction <add>, %exp3A, %reduce_sum3A [1] : vector<2000x128xf32> to vector<2000xf32>
    %broadcast_in_dim3A_12 = vector.shape_cast %reduce_sum3A_11 : vector<2000xf32> to vector<2000x1xf32>
    %sub3A_13 = vector.broadcast %broadcast_in_dim3A : vector<2000x1xf32> to vector<2000x128xf32>
    %sub3A_14 = arith.subf %add3A, %sub3A_13 : vector<2000x128xf32>
    %log3A = math.log %broadcast_in_dim3A_12 : vector<2000x1xf32>
    %sub3A_15 = vector.broadcast %log3A : vector<2000x1xf32> to vector<2000x128xf32>
    %sub3A_16 = arith.subf %sub3A_14, %sub3A_15 : vector<2000x128xf32>
    %swap3A = arith.constant 0 : index
    %swap3A_17 = arith.constant 0 : index
    %swap3A_18 = vector.load %arg2[%swap3A, %swap3A_17] : memref<2000x128xf32, #tpu.memory_space<vmem>>, vector<2000x128xf32>
    tpu.vector_store %arg2[%swap3A, %swap3A_17], %sub3A_16 {strides = array<i32>} : memref<2000x128xf32, #tpu.memory_space<vmem>>, vector<2000x128xf32>,
    return
  }
  func.func @transform_0(%arg0: i32) -> (i32, i32, i32) {
    %c0_i32 = arith.constant 0 : i32
    %c0_i32_0 = arith.constant 0 : i32
    %c0_i32_1 = arith.constant 0 : i32
    return %c0_i32, %arg0, %c0_i32_0 : i32, i32, i32
  }
  func.func @transform_1(%arg0: i32) -> (i32, i32) {
    %c0_i32 = arith.constant 0 : i32
    %c0_i32_0 = arith.constant 0 : i32
    return %arg0, %c0_i32 : i32, i32
  }
}

</mosaic_0001>

<sc_bundles>
// kernel: kernel.10.cloned.1.call-start
scs
__scs_entry_jumppad:
0x0: {  	(pc) =	sbr.rel $0x88, $3  }
0x1: {  	(tag) =	ssettag $0x0;
	lr =	simm.s32 $0x1  }
0x2: {  	[smem:$0x3F99] =	sst lr;
	_ =	strace $0xD0000000  }
0x3: {  	_ = 	snop  }
0x4: {  	_ = 	snop  }
0x5: {  	_ = 	snop  }
0x6: {  	_ = 	snop  }
0x7: {  	_ = 	snop  }
__scs_overlays_trampoline_lowered:
0x8: {  	[smem:$0x3FA8] =	sst s0  }
0x9: {  	[smem:$0x3FA9] =	sst s1  }
0xa: {  	[smem:$0x3FAA] =	sst s2  }
0xb: {  	[smem:$0x3FAB] =	sst s3  }
0xc: {  	[smem:$0x3FAC] =	sst s4  }
0xd: {  	[smem:$0x3FAD] =	sst s5  }
0xe: {  	[smem:$0x3FAE] =	sst s6  }
0xf: {  	[smem:$0x3FAF] =	sst s7  }
0x10: {  	[smem:$0x3FB0] =	sst s8  }
0x11: {  	[smem:$0x3FB1] =	sst s9;
	s0 =	simm.s32 @!p0 $0x0  }
0x12: {  	s1 =	sld [smem:$0x3F97];
	s0 =	simm.s32 @p0 $0x1  }
0x13: {  	[smem:$0x3FB2] =	sst s0;
	s0 =	simm.s32 @!p1 $0x0  }
0x14: {  	s2 =	sld [smem:$0x3F96];
	s0 =	simm.s32 @p1 $0x1  }
0x15: {  	[smem:$0x3FB3] =	sst s0;
	s0 =	simm.s32 @!p2 $0x0  }
0x16: {  	s3 =	sld [smem:$0x3FDB];
	s0 =	simm.s32 @p2 $0x1  }
0x17: {  	s4 =	simm.s32 $0x1BF5;
	[smem:$0x3FB5] =	sst s0  }
0x18: {  	s0 =	sld [smem:$0x3F98];
	_ =	swait.ge [sflag:s4], $0x0  }
0x19: {  	s7 =	sld [smem:$0x3F99]  }
0x1a: {  	s8 =	sadd.s32 $0xFFFFE003, lr  }
0x1b: {  	s9 =	sadd.s32 $0xFFFFFEF7, lr;
	s5 =	simm.s32 $0xFFFFFFFF;
	p2 =	slt.u32 s8, $0xFFFFF086  }
0x1c: {  	p1 =	slt.u32 s9, $0xF7A;
	s5 =	simm.s32 @!p2 $0x0  }
0x1d: {  	s5 =	simm.s32 @p1 $0x1;
	p0 =	seq.s32 s7, s2  }
0x1e: {  	s7 =	smul.u32 @!p0 $0xF7A, s2;
	p2 =	seq.s32 @!p0 s5, $0x0  }
0x1f: {  	s9 =	smul.u32 $0xF7A, s1;
	s8 =	simm.s32 @!p0 $0x1BF5;
	p2 =	por !p2, p0  }
0x20: {  	[sflag:s8] =	ssyncset.s32 @!p0 $0xFFFFF086;
	s6 =	sadd.s32 @!p0 s3, s7;
	s7 =	simm.s32 @!p0 $0x108  }
0x21: {  	s3 =	sadd.s32 s3, s9;
	s6 =	sadd.s32 @!p0 $0x88, s6;
	s7 =	simm.s32 @p2 $0x1082  }
0x22: {  	[simem:s7], [sflag:s8] =	dma.local @!p0 [hbm:s6], $0xF7A  }
0x23: {  	s9 =	sor.u32 $0xD0000000, s2;
	s6 =	simm.s32 $0x108;
	_ =	swait.ge @!p0 [sflag:s8], $0x0  }
0x24: {  	s3 =	sadd.s32 $0x88, s3;
	s6 =	simm.s32 @!p1 $0x1082;
	[sflag:s4] =	ssyncset.s32 $0xFFFFF086  }
0x25: {  	[simem:s6], [sflag:s4] =	dma.local [hbm:s3], $0xF7A  }
0x26: {  	[smem:$0x3F99] =	sst s1;
	(tag) =	ssettag s2;
	_ =	strace s9  }
0x27: {  	s1 =	sld [smem:$0x3FA9]  }
0x28: {  	s2 =	sld [smem:$0x3FAA]  }
0x29: {  	s4 =	sld [smem:$0x3FAC]  }
0x2a: {  	p0 =	seq.s32 s5, $0x0;
	s5 =	sld [smem:$0x3FAD]  }
0x2b: {  	s6 =	sld [smem:$0x3FAE]  }
0x2c: {  	s7 =	sld [smem:$0x3FAF]  }
0x2d: {  	s3 =	simm.s32 $0x108;
	s8 =	sld [smem:$0x3FB0]  }
0x2e: {  	s3 =	simm.s32 @!p0 $0x1082;
	s9 =	sld [smem:$0x3FB1]  }
0x2f: {  	lr =	sadd.s32 s0, s3;
	s0 =	sld [smem:$0x3FA8]  }
0x30: {  	s3 =	sld [smem:$0x3FAB]  }
0x31: {  	[smem:$0x3FB4] =	sst s10  }
0x32: {  	s10 =	sld [smem:$0x3FB2];
	_ =	sdelay $0x3  }
0x33: {  	p0 =	seq.s32 s10, $0x1;
	s10 =	sld [smem:$0x3FB4];
	_ =	sdelay $0x3  }
0x34: {  	[smem:$0x3FB4] =	sst s10  }
0x35: {  	s10 =	sld [smem:$0x3FB3];
	_ =	sdelay $0x3  }
0x36: {  	p1 =	seq.s32 s10, $0x1;
	s10 =	sld [smem:$0x3FB4];
	_ =	sdelay $0x3  }
0x37: {  	[smem:$0x3FB4] =	sst s10  }
0x38: {  	s10 =	sld [smem:$0x3FB5]  }
0x39: {  	_ = 	snop;
	(pc) =	sbr.ind lr, $3  }
0x3a: {  	_ = 	snop  }
0x3b: {  	_ = 	snop  }
0x3c: {  	p2 =	seq.s32 s10, $0x1;
	s10 =	sld [smem:$0x3FB4]  }
0x3d: {  	_ =	shalt  }
0x3e: {  	_ =	shalt  }
0x3f: {  	_ =	shalt  }
0x40: {  	_ =	shalt  }
0x41: {  	_ =	shalt  }
0x42: {  	_ =	shalt  }
0x43: {  	_ =	shalt  }
0x44: {  	_ =	shalt  }
0x45: {  	_ =	shalt  }
0x46: {  	_ =	shalt  }
0x47: {  	_ =	shalt  }
0x48: {  	_ =	shalt  }
0x49: {  	_ =	shalt  }
0x4a: {  	_ =	shalt  }
0x4b: {  	_ =	shalt  }
0x4c: {  	_ =	shalt  }
0x4d: {  	_ =	shalt  }
0x4e: {  	_ =	shalt  }
0x4f: {  	_ =	shalt  }
0x50: {  	_ =	shalt  }
0x51: {  	_ =	shalt  }
0x52: {  	_ =	shalt  }
0x53: {  	_ =	shalt  }
0x54: {  	_ =	shalt  }
0x55: {  	_ =	shalt  }
0x56: {  	_ =	shalt  }
0x57: {  	_ =	shalt  }
0x58: {  	_ =	shalt  }
0x59: {  	_ =	shalt  }
0x5a: {  	_ =	shalt  }
0x5b: {  	_ =	shalt  }
0x5c: {  	_ =	shalt  }
0x5d: {  	_ =	shalt  }
0x5e: {  	_ =	shalt  }
0x5f: {  	_ =	shalt  }
0x60: {  	_ =	shalt  }
0x61: {  	_ =	shalt  }
0x62: {  	_ =	shalt  }
0x63: {  	_ =	shalt  }
0x64: {  	_ =	shalt  }
0x65: {  	_ =	shalt  }
0x66: {  	_ =	shalt  }
0x67: {  	_ =	shalt  }
0x68: {  	_ =	shalt  }
0x69: {  	_ =	shalt  }
0x6a: {  	_ =	shalt  }
0x6b: {  	_ =	shalt  }
0x6c: {  	_ =	shalt  }
0x6d: {  	_ =	shalt  }
0x6e: {  	_ =	shalt  }
0x6f: {  	_ =	shalt  }
0x70: {  	_ =	shalt  }
0x71: {  	_ =	shalt  }
0x72: {  	_ =	shalt  }
0x73: {  	_ =	shalt  }
0x74: {  	_ =	shalt  }
0x75: {  	_ =	shalt  }
0x76: {  	_ =	shalt  }
0x77: {  	_ =	shalt  }
0x78: {  	_ =	shalt  }
0x79: {  	_ =	shalt  }
0x7a: {  	_ =	shalt  }
0x7b: {  	_ =	shalt  }
0x7c: {  	_ =	shalt  }
0x7d: {  	_ =	shalt  }
0x7e: {  	_ =	shalt  }
0x7f: {  	_ =	shalt  }
0x80: {  	_ =	shalt  }
0x81: {  	_ =	shalt  }
0x82: {  	_ =	shalt  }
0x83: {  	_ =	shalt  }
0x84: {  	_ =	shalt  }
0x85: {  	_ =	shalt  }
0x86: {  	_ =	shalt  }
0x87: {  	_ =	shalt  }
.Lfunc_end0:
.L_simem_size_0:
called_computation.1_lowered:
.L_overlay_start_0:
0x88: {  	s2 =	sld [smem:$0x3FD9]  }
0x89: {  	s3 =	sld [smem:$0x3FFE];
	_ =	sdelay $0x1  }
0x8a: {  	s1 =	srdreg.scid  }
0x8b: {  	s0 =	sand.u32 $0x1, s1  }
0x8c: {  	s17 =	sshll.u32 s0, $0xA;
	s2 =	sadd.s32 s3, s2  }
0x8d: {  	s2 =	sadd.s32 s2, s17  }
0x8e: {  	[smem:$0x3FC0] =	sst s2  }
0x8f: {  	_ = 	snop  }
0x90: {  	s2 =	sld [smem:$0x3FD0];
	(tm) =	ssettm $0x1  }
0x91: {  	s18 =	sld [smem:$0x3FFB];
	_ =	sdelay $0x3  }
0x92: {  	_ =	strace s18  }
0x93: {  	s3 =	sld [smem:$0x3FFC];
	_ =	sdelay $0x3  }
0x94: {  	_ =	strace s3  }
0x95: {  	s3 =	sld [smem:$0x3FFD];
	_ =	sdelay $0x3  }
0x96: {  	_ =	strace s3  }
0x97: {  	_ =	strace $0x8FFFFFFF  }
0x98: {  	s19 =	sld [smem:$0x3FDB];
	_ =	sdelay $0x1  }
0x99: {  	s4 =	simm.s32 $_scs_section_size  }
0x9a: {  	s5 =	simm.s32 $_size__tile_overlayer_lowered;
	s6 =	simm.s32 $_tile_overlayer_lowered  }
0x9b: {  	s22 =	simm.s32 $0x1BFF;
	s21 =	sshll.u32 s6, $0x1;
	s3 =	sadd.s32 s4, s19  }
0x9c: {  	s7 =	simm.s32 $0x0;
	s20 =	sshll.u32 s5, $0x1;
	s5 =	sadd.s32 s21, s3  }
0x9d: {  	[timem:s7], [sflag:s22] =	dma.local [hbm:s5], s20  }
0x9e: {  	_ =	swait.ge [sflag:s22], s20  }
0x9f: {  	s4 =	ssub.s32 $0x0, s20;
	[sflag:s22] =	ssyncset.done $0x0  }
0xa0: {  	[sflag:s22] =	ssyncadd.s32 s4;
	_ =	sdelay $0x1  }
0xa1: {  	s23 =	simm.s32 $0x1B8B  }
0xa2: {  	_ =	swait.ge [sflag:s23], $0x1  }
0xa3: {  	[sflag:s23] =	ssyncset.done $0x0  }
0xa4: {  	s25 =	simm.s32 $0x1B8E;
	s24 =	sld [smem:$0x3FFE];
	[sflag:s23] =	ssyncadd.s32 $0xFFFFFFFF  }
0xa5: {  	s26 =	simm.s32 $execute0_lowered;
	[smem:$0x3FD2] =	sst s25  }
0xa6: {  	s5 =	sshll.u32 s26, $0x1;
	_ =	strace $0x80000049;
	[dreg:$0x1] =	wrdreg $0xFFFFFFFF  }
0xa7: {  	s28 =	simm.s32 $_size_execute0_lowered;
	s3 =	sadd.s32 s3, s5;
	[dreg:$0x0] =	wrdreg $0x0  }
0xa8: {  	s5 =	sshll.u32 s28, $0x1;
	[dreg:$0x2] =	wrdreg s3  }
0xa9: {  	[dreg:$0x3] =	wrdreg s5  }
0xaa: {  	[dreg:$0x4] =	wrdreg $0xC0  }
0xab: {  	_ =	task [dreg:s7], $0x5FFFF  }
0xac: {  	[dreg:$0x1] =	wrdreg $0xFFFFFFFF  }
0xad: {  	[dreg:$0x0] =	wrdreg $0x60  }
0xae: {  	[dreg:$0x2] =	wrdreg s24  }
0xaf: {  	[dreg:$0x3] =	wrdreg s2  }
0xb0: {  	[dreg:$0x4] =	wrdreg $0x90000  }
0xb1: {  	[dreg:$0x5] =	wrdreg $0x9  }
0xb2: {  	_ =	task.clear_ibuf [dreg:s7], $0x6FFFF;
	_ =	strace $0x90000049  }
0xb3: {  	s29 =	simm.s32 $0x9;
	_ =	strace $0x8000004B  }
0xb4: {  	_ =	swait.ge [sflag:s29], $0x1  }
0xb5: {  	[sflag:s29] =	ssyncadd.s32 $0xFFFFFFFF  }
0xb6: {  	_ =	strace $0x9000004B  }
0xb7: {  	_ =	sfence  }
0xb8: {  	s30 =	sld [smem:$0x0];
	_ =	sdelay $0x2  }
0xb9: {  	s31 =	sshll.u32 s1, $0xD;
	s1 =	sshrl.u32 s1, $0x2  }
0xba: {  	s3 =	sand.u32 $0x4000, s31;
	s1 =	sadd.s32 s1, s30  }
0xbb: {  	s0 =	sor.u32 s3, s0;
	s1 =	sshll.u32 s1, $0x11  }
0xbc: {  	s0 =	sor.u32 s1, s0  }
0xbd: {  	s0 =	sadd.s32 $0x8F2B, s0  }
0xbe: {  	[sflag:s0] =	ssyncadd.remote.s32 $0x1  }
0xbf: {  	_ =	sfence.sel $0xFFFF  }
0xc0: {  	[dreg:$0x0] =	wrdreg $0xFFFFFFFF;
	(pc) =	sbr.abs _section_cstart, $3  }
0xc1: {  	[dreg:$0x1] =	wrdreg $0xFFFFFFFF  }
0xc2: {  	_ =	task.clear_ibuf [dreg:s7], $0x2FFFF;
	_ =	strace $0x9FFFFFFF  }
0xc3: {  	(tm) =	ssettm $0x7FFFFFFF  }
tec
execute0_lowered:
.L_overlay_start_1:
0x0: {  	(tag) =	ssettag $0x1  }
0x1: {  	s5 =	rddreg [dreg:$0x0]  }
0x2: {  	s6 =	rddreg [dreg:$0x1]  }
0x3: {  	s1 =	srdreg.scid;
	s0 =	stileid.u32  }
0x4: {  	s2 =	rddreg [dreg:$0x2];
	s3 =	simm.s32 $0x0;
	s14 =	simm.s32 $0x5000  }
0x5: {  	s15 =	simm.s32 $0x1;
	s7 =	sand.u32 $0x1, s1;
	s1 =	rddreg [dreg:$0x3]  }
0x6: {  	s4 =	sshll.u32 s0, $0x1;
	[smem:$0x7FF] =	sst s3;
	s12 =	smul.u32 $0x50000, s0  }
0x7: {  	s10 =	sadd.s32 $0x33200, s5;
	s16 =	smul.u32 $0x2800, s0;
	s31 =	sshll.u32 s0, $0x6  }
0x8: {  	s4 =	sor.u32 s7, s4;
	_ =	strace $0x8000004A;
	s9 =	smul.u32 $0x28000, s7  }
0x9: {  	s11 =	ssub.s32 $0x2, s7;
	p0 =	seq.s32 s7, $0x1;
	s8 =	smul.u32 $0x500, s4  }
0xa: {  	s4 =	sadd.s32 $0xB200, s5;
	s29 =	sshrl.u32 s11, $0x1;
	s30 =	sshrl.u32 s12, $0x2  }
0xb: {  	s9 =	sadd.s32 s9, s5;
	s11 =	ssub.s32 s11, s29;
	s12 =	sadd.s32 s30, s2  }
0xc: {  	s13 =	sadd.s32 s8, s5;
	s5 =	sadd.s32 s6, s8;
	s8 =	smov.u32 s4  }
0xd: {  	s17 =	sadd.s32 $0x5B200, s9;
	s7 =	smax.u32 s11, $0x1;
	s9 =	sor.u32 $0x1C02, s31  }
0xe: {  	s11 =	simm.s32 $0x2;
	s6 =	sadd.s32 $0x1200, s13;
	s8 =	smov.u32 @p0 s10  }
0xf: {  	s10 =	sshrl.u32 s12, $0x3;
	s12 =	simm.s32 $0x2800;
	s13 =	simm.s32 $0x80  }
0x10: {  	s8 =	sadd.s32 s8, s16;
	s16 =	sadd.s32 s16, s17;
	s17 =	simm.s32 $0x0  }
.LBB2_1:
0x11: {  	[spmem:s10], [sflag:s9] =	dma.local [hbm:s8], $0x2800  }
0x12: {  	_ =	swait.ge [sflag:s11], $0x2800  }
0x13: {  	[sflag:s11] =	ssyncset.done $0x0  }
0x14: {  	[sflag:s11] =	ssyncadd.s32 $0xFFFFD800  }
0x15: {  	[bflag:$0x0] =	sbarrier.arrive $0xFFFF  }
0x16: {  	[tilespmem:s3], [sflag:$0x2] =	stream.linear.gather [hbm4b:s5+s3], $0x2800, $0x38;
	[tilespmem:$0x1D000] =	vst v63  }
0x17: {  	_ =	swait.ge [sflag:s11], $0x2800  }
0x18: {  	[sflag:s11] =	ssyncset.done $0x0  }
0x19: {  	[sflag:s11] =	ssyncadd.s32 $0xFFFFD800  }
0x1a: {  	[tilespmem:s12], [sflag:$0x2] =	stream.linear.gather [hbm4b:s6+s3], $0x2800, $0x38;
	[tilespmem:$0x1D000] =	vst v63  }
0x1b: {  	_ =	swait.ge [sflag:s11], $0x2800  }
0x1c: {  	[sflag:s11] =	ssyncset.done $0x0  }
0x1d: {  	s18 =	simm.s32 $0x0;
	[sflag:s11] =	ssyncadd.s32 $0xFFFFD800  }
0x1e: {  	[tilespmem:s14], [sflag:$0x1] =	stream.indirect.gather [hbm4b:s4+s13], $0x80, s18, s13, $0xb8;
	[tilespmem:$0x1D000] =	vst v63  }
0x1f: {  	_ =	swait.ge [sflag:s15], $0x4000  }
0x20: {  	[sflag:s15] =	ssyncset.done $0x0  }
0x21: {  	s31 =	simm.s32 $0x2800;
	[sflag:s15] =	ssyncadd.s32 $0xFFFFC000  }
0x22: {  	[spmem:s2] =	stream.indirect.scatter.add.f32 [tilespmem:s14], [sflag:$0x2], $0x80, s31, s13, $0xb8;
	[tilespmem:$0x1D000] =	vst v63  }
0x23: {  	_ =	swait.ge [sflag:s11], $0x4000  }
0x24: {  	s19 =	simm.s32 $0x400;
	s18 =	simm.s32 $0x200;
	[sflag:s11] =	ssyncset.done $0x0  }
.LBB2_2:
0x25: {  	s20 =	sshra.s32 s18, $0x2  }
0x26: {  	[sflag:s11] =	ssyncadd.s32 $0xFFFFC000;
	s18 =	smov.u32 s19;
	s21 =	sadd.s32 $0x200, s19  }
0x27: {  	[tilespmem:s14], [sflag:$0x1] =	stream.indirect.gather [hbm4b:s4+s13], $0x80, s20, s13, $0xb8;
	[tilespmem:$0x1D000] =	vst v63  }
0x28: {  	p0 =	sne.s32 s19, $0x9E00;
	_ =	swait.ge [sflag:s15], $0x4000  }
.Ltmp0:
0x29: {  	[sflag:s15] =	ssyncset.done $0x0;
	(pc) =	sbr.rel @p0 .LBB2_2-.Ltmp0, $4  }
0x2a: {  	s19 =	sadd.s32 $0x2800, s20;
	[sflag:s15] =	ssyncadd.s32 $0xFFFFC000  }
0x2b: {  	[spmem:s2] =	stream.indirect.scatter.add.f32 [tilespmem:s14], [sflag:$0x2], $0x80, s19, s13, $0xb8;
	[tilespmem:$0x1D000] =	vst v63  }
0x2c: {  	_ =	swait.ge [sflag:s11], $0x4000  }
0x2d: {  	s19 =	smov.u32 s21;
	[sflag:s11] =	ssyncset.done $0x0  }
0x2e: {  	s18 =	sshra.s32 s18, $0x2;
	[sflag:s11] =	ssyncadd.s32 $0xFFFFC000  }
0x2f: {  	[tilespmem:s14], [sflag:$0x1] =	stream.indirect.gather [hbm4b:s4+s13], $0x80, s18, s13, $0xb8;
	[tilespmem:$0x1D000] =	vst v63  }
0x30: {  	_ =	swait.ge [sflag:s15], $0x4000  }
0x31: {  	[sflag:s15] =	ssyncset.done $0x0  }
0x32: {  	s18 =	sadd.s32 $0x2800, s18;
	[sflag:s15] =	ssyncadd.s32 $0xFFFFC000  }
0x33: {  	[spmem:s2] =	stream.indirect.scatter.add.f32 [tilespmem:s14], [sflag:$0x2], $0x80, s18, s13, $0xb8;
	[tilespmem:$0x1D000] =	vst v63  }
0x34: {  	_ =	swait.ge [sflag:s11], $0x4000  }
0x35: {  	s17 =	sadd.s32 $0x1, s17;
	[sflag:s11] =	ssyncset.done $0x0  }
0x36: {  	p0 =	sne.s32 s17, s7;
	[sflag:s11] =	ssyncadd.s32 $0xFFFFC000  }
.Ltmp1:
0x37: {  	[bflag:$0x0] =	sbarrier.arrive $0xFFFF;
	(pc) =	sbr.rel @p0 .LBB2_1-.Ltmp1, $4  }
0x38: {  	[hbm:s16], [sflag:s9] =	dma.local [spmem:s10], $0x2800  }
0x39: {  	_ =	swait.ge [sflag:s11], $0x2800  }
0x3a: {  	[sflag:s11] =	ssyncset.done $0x0  }
0x3b: {  	[sflag:s11] =	ssyncadd.s32 $0xFFFFD800  }
0x3c: {  	_ =	sfence.sel $0x180000  }
0x3d: {  	[bflag:$0x0] =	sbarrier.arrive $0xFFFF  }
0x3e: {  	p0 =	sne.s32 s0, $0x0;
	_ =	strace $0x9000004A  }
0x3f: {  	s0 =	sadd.s32 @!p0 $0x100000, s1;
	[bflag:$0x2] =	sbarrier.arrive $0xFFFF  }
0x40: {  	[sflag:s0] =	ssyncadd.tile.s32 @!p0 $0x1;
	_ =	shalt  }
.Lfunc_end2:
_tile_overlayer_lowered:
.L_overlay_start_2:
0x41: {  	(tag) =	ssettag $0x2  }
0x42: {  	s0 =	rddreg [dreg:$0x0];
	s2 =	stileid.u32  }
0x43: {  	s1 =	rddreg [dreg:$0x1];
	p0 =	sne.s32 s2, $0x0  }
0x44: {  	s3 =	rddreg [dreg:$0x2];
	[bflag:$0x3] =	sbarrier.arrive $0xFFFF;
	s2 =	simm.s32 @!p0 $0x1C02  }
0x45: {  	[timem:s3], [sflag:s2] =	dma.local @!p0 [hbm:s0], s1  }
0x46: {  	s0 =	simm.s32 @!p0 $0x2  }
0x47: {  	_ =	swait.ge @!p0 [sflag:s0], s1  }
0x48: {  	s1 =	ssub.s32 @!p0 $0x0, s1;
	[sflag:s0] =	ssyncset.done @!p0 $0x0  }
0x49: {  	[sflag:s0] =	ssyncadd.s32 @!p0 s1  }
0x4a: {  	[bflag:$0x3] =	sbarrier.arrive $0xFFFF  }
0x4b: {  	_ =	shalt  }

// kernel: kernel.7.cloned.1.call-start
scs
__scs_entry_jumppad:
0x0: {  	(pc) =	sbr.rel $0x88, $3  }
0x1: {  	(tag) =	ssettag $0x0;
	lr =	simm.s32 $0x1  }
0x2: {  	[smem:$0x3F99] =	sst lr;
	_ =	strace $0xD0000000  }
0x3: {  	_ = 	snop  }
0x4: {  	_ = 	snop  }
0x5: {  	_ = 	snop  }
0x6: {  	_ = 	snop  }
0x7: {  	_ = 	snop  }
__scs_overlays_trampoline_lowered:
0x8: {  	[smem:$0x3FA8] =	sst s0  }
0x9: {  	[smem:$0x3FA9] =	sst s1  }
0xa: {  	[smem:$0x3FAA] =	sst s2  }
0xb: {  	[smem:$0x3FAB] =	sst s3  }
0xc: {  	[smem:$0x3FAC] =	sst s4  }
0xd: {  	[smem:$0x3FAD] =	sst s5  }
0xe: {  	[smem:$0x3FAE] =	sst s6  }
0xf: {  	[smem:$0x3FAF] =	sst s7  }
0x10: {  	[smem:$0x3FB0] =	sst s8  }
0x11: {  	[smem:$0x3FB1] =	sst s9;
	s0 =	simm.s32 @!p0 $0x0  }
0x12: {  	s1 =	sld [smem:$0x3F97];
	s0 =	simm.s32 @p0 $0x1  }
0x13: {  	[smem:$0x3FB2] =	sst s0;
	s0 =	simm.s32 @!p1 $0x0  }
0x14: {  	s2 =	sld [smem:$0x3F96];
	s0 =	simm.s32 @p1 $0x1  }
0x15: {  	[smem:$0x3FB3] =	sst s0;
	s0 =	simm.s32 @!p2 $0x0  }
0x16: {  	s3 =	sld [smem:$0x3FDB];
	s0 =	simm.s32 @p2 $0x1  }
0x17: {  	s4 =	simm.s32 $0x1BF5;
	[smem:$0x3FB5] =	sst s0  }
0x18: {  	s0 =	sld [smem:$0x3F98];
	_ =	swait.ge [sflag:s4], $0x0  }
0x19: {  	s7 =	sld [smem:$0x3F99]  }
0x1a: {  	s8 =	sadd.s32 $0xFFFFE003, lr  }
0x1b: {  	s9 =	sadd.s32 $0xFFFFFEF7, lr;
	s5 =	simm.s32 $0xFFFFFFFF;
	p2 =	slt.u32 s8, $0xFFFFF086  }
0x1c: {  	p1 =	slt.u32 s9, $0xF7A;
	s5 =	simm.s32 @!p2 $0x0  }
0x1d: {  	s5 =	simm.s32 @p1 $0x1;
	p0 =	seq.s32 s7, s2  }
0x1e: {  	s7 =	smul.u32 @!p0 $0xF7A, s2;
	p2 =	seq.s32 @!p0 s5, $0x0  }
0x1f: {  	s9 =	smul.u32 $0xF7A, s1;
	s8 =	simm.s32 @!p0 $0x1BF5;
	p2 =	por !p2, p0  }
0x20: {  	[sflag:s8] =	ssyncset.s32 @!p0 $0xFFFFF086;
	s6 =	sadd.s32 @!p0 s3, s7;
	s7 =	simm.s32 @!p0 $0x108  }
0x21: {  	s3 =	sadd.s32 s3, s9;
	s6 =	sadd.s32 @!p0 $0x88, s6;
	s7 =	simm.s32 @p2 $0x1082  }
0x22: {  	[simem:s7], [sflag:s8] =	dma.local @!p0 [hbm:s6], $0xF7A  }
0x23: {  	s9 =	sor.u32 $0xD0000000, s2;
	s6 =	simm.s32 $0x108;
	_ =	swait.ge @!p0 [sflag:s8], $0x0  }
0x24: {  	s3 =	sadd.s32 $0x88, s3;
	s6 =	simm.s32 @!p1 $0x1082;
	[sflag:s4] =	ssyncset.s32 $0xFFFFF086  }
0x25: {  	[simem:s6], [sflag:s4] =	dma.local [hbm:s3], $0xF7A  }
0x26: {  	[smem:$0x3F99] =	sst s1;
	(tag) =	ssettag s2;
	_ =	strace s9  }
0x27: {  	s1 =	sld [smem:$0x3FA9]  }
0x28: {  	s2 =	sld [smem:$0x3FAA]  }
0x29: {  	s4 =	sld [smem:$0x3FAC]  }
0x2a: {  	p0 =	seq.s32 s5, $0x0;
	s5 =	sld [smem:$0x3FAD]  }
0x2b: {  	s6 =	sld [smem:$0x3FAE]  }
0x2c: {  	s7 =	sld [smem:$0x3FAF]  }
0x2d: {  	s3 =	simm.s32 $0x108;
	s8 =	sld [smem:$0x3FB0]  }
0x2e: {  	s3 =	simm.s32 @!p0 $0x1082;
	s9 =	sld [smem:$0x3FB1]  }
0x2f: {  	lr =	sadd.s32 s0, s3;
	s0 =	sld [smem:$0x3FA8]  }
0x30: {  	s3 =	sld [smem:$0x3FAB]  }
0x31: {  	[smem:$0x3FB4] =	sst s10  }
0x32: {  	s10 =	sld [smem:$0x3FB2];
	_ =	sdelay $0x3  }
0x33: {  	p0 =	seq.s32 s10, $0x1;
	s10 =	sld [smem:$0x3FB4];
	_ =	sdelay $0x3  }
0x34: {  	[smem:$0x3FB4] =	sst s10  }
0x35: {  	s10 =	sld [smem:$0x3FB3];
	_ =	sdelay $0x3  }
0x36: {  	p1 =	seq.s32 s10, $0x1;
	s10 =	sld [smem:$0x3FB4];
	_ =	sdelay $0x3  }
0x37: {  	[smem:$0x3FB4] =	sst s10  }
0x38: {  	s10 =	sld [smem:$0x3FB5]  }
0x39: {  	_ = 	snop;
	(pc) =	sbr.ind lr, $3  }
0x3a: {  	_ = 	snop  }
0x3b: {  	_ = 	snop  }
0x3c: {  	p2 =	seq.s32 s10, $0x1;
	s10 =	sld [smem:$0x3FB4]  }
0x3d: {  	_ =	shalt  }
0x3e: {  	_ =	shalt  }
0x3f: {  	_ =	shalt  }
0x40: {  	_ =	shalt  }
0x41: {  	_ =	shalt  }
0x42: {  	_ =	shalt  }
0x43: {  	_ =	shalt  }
0x44: {  	_ =	shalt  }
0x45: {  	_ =	shalt  }
0x46: {  	_ =	shalt  }
0x47: {  	_ =	shalt  }
0x48: {  	_ =	shalt  }
0x49: {  	_ =	shalt  }
0x4a: {  	_ =	shalt  }
0x4b: {  	_ =	shalt  }
0x4c: {  	_ =	shalt  }
0x4d: {  	_ =	shalt  }
0x4e: {  	_ =	shalt  }
0x4f: {  	_ =	shalt  }
0x50: {  	_ =	shalt  }
0x51: {  	_ =	shalt  }
0x52: {  	_ =	shalt  }
0x53: {  	_ =	shalt  }
0x54: {  	_ =	shalt  }
0x55: {  	_ =	shalt  }
0x56: {  	_ =	shalt  }
0x57: {  	_ =	shalt  }
0x58: {  	_ =	shalt  }
0x59: {  	_ =	shalt  }
0x5a: {  	_ =	shalt  }
0x5b: {  	_ =	shalt  }
0x5c: {  	_ =	shalt  }
0x5d: {  	_ =	shalt  }
0x5e: {  	_ =	shalt  }
0x5f: {  	_ =	shalt  }
0x60: {  	_ =	shalt  }
0x61: {  	_ =	shalt  }
0x62: {  	_ =	shalt  }
0x63: {  	_ =	shalt  }
0x64: {  	_ =	shalt  }
0x65: {  	_ =	shalt  }
0x66: {  	_ =	shalt  }
0x67: {  	_ =	shalt  }
0x68: {  	_ =	shalt  }
0x69: {  	_ =	shalt  }
0x6a: {  	_ =	shalt  }
0x6b: {  	_ =	shalt  }
0x6c: {  	_ =	shalt  }
0x6d: {  	_ =	shalt  }
0x6e: {  	_ =	shalt  }
0x6f: {  	_ =	shalt  }
0x70: {  	_ =	shalt  }
0x71: {  	_ =	shalt  }
0x72: {  	_ =	shalt  }
0x73: {  	_ =	shalt  }
0x74: {  	_ =	shalt  }
0x75: {  	_ =	shalt  }
0x76: {  	_ =	shalt  }
0x77: {  	_ =	shalt  }
0x78: {  	_ =	shalt  }
0x79: {  	_ =	shalt  }
0x7a: {  	_ =	shalt  }
0x7b: {  	_ =	shalt  }
0x7c: {  	_ =	shalt  }
0x7d: {  	_ =	shalt  }
0x7e: {  	_ =	shalt  }
0x7f: {  	_ =	shalt  }
0x80: {  	_ =	shalt  }
0x81: {  	_ =	shalt  }
0x82: {  	_ =	shalt  }
0x83: {  	_ =	shalt  }
0x84: {  	_ =	shalt  }
0x85: {  	_ =	shalt  }
0x86: {  	_ =	shalt  }
0x87: {  	_ =	shalt  }
.Lfunc_end0:
.L_simem_size_0:
called_computation_lowered:
.L_overlay_start_0:
0x88: {  	s2 =	sld [smem:$0x3FD9]  }
0x89: {  	s3 =	sld [smem:$0x3FFE];
	_ =	sdelay $0x1  }
0x8a: {  	s1 =	srdreg.scid  }
0x8b: {  	s0 =	sand.u32 $0x1, s1  }
0x8c: {  	s17 =	sshll.u32 s0, $0xA;
	s2 =	sadd.s32 s3, s2  }
0x8d: {  	s2 =	sadd.s32 s2, s17  }
0x8e: {  	[smem:$0x3FC0] =	sst s2  }
0x8f: {  	_ = 	snop  }
0x90: {  	s2 =	sld [smem:$0x3FD0];
	(tm) =	ssettm $0x1  }
0x91: {  	s18 =	sld [smem:$0x3FFB];
	_ =	sdelay $0x3  }
0x92: {  	_ =	strace s18  }
0x93: {  	s3 =	sld [smem:$0x3FFC];
	_ =	sdelay $0x3  }
0x94: {  	_ =	strace s3  }
0x95: {  	s3 =	sld [smem:$0x3FFD];
	_ =	sdelay $0x3  }
0x96: {  	_ =	strace s3  }
0x97: {  	_ =	strace $0x8FFFFFFF  }
0x98: {  	s19 =	sld [smem:$0x3FDB];
	_ =	sdelay $0x1  }
0x99: {  	s4 =	simm.s32 $_scs_section_size  }
0x9a: {  	s5 =	simm.s32 $_size__tile_overlayer_lowered;
	s6 =	simm.s32 $_tile_overlayer_lowered  }
0x9b: {  	s22 =	simm.s32 $0x1BFF;
	s21 =	sshll.u32 s6, $0x1;
	s3 =	sadd.s32 s4, s19  }
0x9c: {  	s7 =	simm.s32 $0x0;
	s20 =	sshll.u32 s5, $0x1;
	s5 =	sadd.s32 s21, s3  }
0x9d: {  	[timem:s7], [sflag:s22] =	dma.local [hbm:s5], s20  }
0x9e: {  	_ =	swait.ge [sflag:s22], s20  }
0x9f: {  	s4 =	ssub.s32 $0x0, s20;
	[sflag:s22] =	ssyncset.done $0x0  }
0xa0: {  	[sflag:s22] =	ssyncadd.s32 s4;
	_ =	sdelay $0x1  }
0xa1: {  	s23 =	simm.s32 $0x1B8B  }
0xa2: {  	_ =	swait.ge [sflag:s23], $0x1  }
0xa3: {  	[sflag:s23] =	ssyncset.done $0x0  }
0xa4: {  	s25 =	simm.s32 $0x1B8E;
	s24 =	sld [smem:$0x3FFE];
	[sflag:s23] =	ssyncadd.s32 $0xFFFFFFFF  }
0xa5: {  	s26 =	simm.s32 $execute0_lowered;
	[smem:$0x3FD2] =	sst s25  }
0xa6: {  	s5 =	sshll.u32 s26, $0x1;
	_ =	strace $0x80000046;
	[dreg:$0x1] =	wrdreg $0xFFFFFFFF  }
0xa7: {  	s28 =	simm.s32 $_size_execute0_lowered;
	s3 =	sadd.s32 s3, s5;
	[dreg:$0x0] =	wrdreg $0x0  }
0xa8: {  	s5 =	sshll.u32 s28, $0x1;
	[dreg:$0x2] =	wrdreg s3  }
0xa9: {  	[dreg:$0x3] =	wrdreg s5  }
0xaa: {  	[dreg:$0x4] =	wrdreg $0xC0  }
0xab: {  	_ =	task [dreg:s7], $0x5FFFF  }
0xac: {  	[dreg:$0x1] =	wrdreg $0xFFFFFFFF  }
0xad: {  	[dreg:$0x0] =	wrdreg $0x60  }
0xae: {  	[dreg:$0x2] =	wrdreg s24  }
0xaf: {  	[dreg:$0x3] =	wrdreg s2  }
0xb0: {  	[dreg:$0x4] =	wrdreg $0x90000  }
0xb1: {  	[dreg:$0x5] =	wrdreg $0x9  }
0xb2: {  	_ =	task.clear_ibuf [dreg:s7], $0x6FFFF;
	_ =	strace $0x90000046  }
0xb3: {  	s29 =	simm.s32 $0x9;
	_ =	strace $0x80000048  }
0xb4: {  	_ =	swait.ge [sflag:s29], $0x1  }
0xb5: {  	[sflag:s29] =	ssyncadd.s32 $0xFFFFFFFF  }
0xb6: {  	_ =	strace $0x90000048  }
0xb7: {  	_ =	sfence  }
0xb8: {  	s30 =	sld [smem:$0x0];
	_ =	sdelay $0x2  }
0xb9: {  	s31 =	sshll.u32 s1, $0xD;
	s1 =	sshrl.u32 s1, $0x2  }
0xba: {  	s3 =	sand.u32 $0x4000, s31;
	s1 =	sadd.s32 s1, s30  }
0xbb: {  	s0 =	sor.u32 s3, s0;
	s1 =	sshll.u32 s1, $0x11  }
0xbc: {  	s0 =	sor.u32 s1, s0  }
0xbd: {  	s0 =	sadd.s32 $0x8F2B, s0  }
0xbe: {  	[sflag:s0] =	ssyncadd.remote.s32 $0x1  }
0xbf: {  	_ =	sfence.sel $0xFFFF  }
0xc0: {  	[dreg:$0x0] =	wrdreg $0xFFFFFFFF;
	(pc) =	sbr.abs _section_cstart, $3  }
0xc1: {  	[dreg:$0x1] =	wrdreg $0xFFFFFFFF  }
0xc2: {  	_ =	task.clear_ibuf [dreg:s7], $0x2FFFF;
	_ =	strace $0x9FFFFFFF  }
0xc3: {  	(tm) =	ssettm $0x7FFFFFFF  }
tec
execute0_lowered:
.L_overlay_start_1:
0x0: {  	(tag) =	ssettag $0x1  }
0x1: {  	s5 =	rddreg [dreg:$0x0]  }
0x2: {  	s6 =	rddreg [dreg:$0x1]  }
0x3: {  	s1 =	srdreg.scid;
	s0 =	stileid.u32  }
0x4: {  	s2 =	rddreg [dreg:$0x2];
	s3 =	simm.s32 $0x0;
	s14 =	simm.s32 $0x5000  }
0x5: {  	s15 =	simm.s32 $0x1;
	s7 =	sand.u32 $0x1, s1;
	s1 =	rddreg [dreg:$0x3]  }
0x6: {  	s4 =	sshll.u32 s0, $0x1;
	[smem:$0x7FF] =	sst s3;
	s12 =	smul.u32 $0x50000, s0  }
0x7: {  	s10 =	sadd.s32 $0x33200, s5;
	s16 =	smul.u32 $0x2800, s0;
	s31 =	sshll.u32 s0, $0x6  }
0x8: {  	s4 =	sor.u32 s7, s4;
	_ =	strace $0x80000047;
	s9 =	smul.u32 $0x28000, s7  }
0x9: {  	s11 =	ssub.s32 $0x2, s7;
	p0 =	seq.s32 s7, $0x1;
	s8 =	smul.u32 $0x500, s4  }
0xa: {  	s4 =	sadd.s32 $0xB200, s5;
	s29 =	sshrl.u32 s11, $0x1;
	s30 =	sshrl.u32 s12, $0x2  }
0xb: {  	s9 =	sadd.s32 s9, s5;
	s11 =	ssub.s32 s11, s29;
	s12 =	sadd.s32 s30, s2  }
0xc: {  	s13 =	sadd.s32 s8, s5;
	s5 =	sadd.s32 s6, s8;
	s8 =	smov.u32 s4  }
0xd: {  	s17 =	sadd.s32 $0x5B200, s9;
	s7 =	smax.u32 s11, $0x1;
	s9 =	sor.u32 $0x1C02, s31  }
0xe: {  	s11 =	simm.s32 $0x2;
	s6 =	sadd.s32 $0x1200, s13;
	s8 =	smov.u32 @p0 s10  }
0xf: {  	s10 =	sshrl.u32 s12, $0x3;
	s12 =	simm.s32 $0x2800;
	s13 =	simm.s32 $0x80  }
0x10: {  	s8 =	sadd.s32 s8, s16;
	s16 =	sadd.s32 s16, s17;
	s17 =	simm.s32 $0x0  }
.LBB2_1:
0x11: {  	[spmem:s10], [sflag:s9] =	dma.local [hbm:s8], $0x2800  }
0x12: {  	_ =	swait.ge [sflag:s11], $0x2800  }
0x13: {  	[sflag:s11] =	ssyncset.done $0x0  }
0x14: {  	[sflag:s11] =	ssyncadd.s32 $0xFFFFD800  }
0x15: {  	[bflag:$0x0] =	sbarrier.arrive $0xFFFF  }
0x16: {  	[tilespmem:s3], [sflag:$0x2] =	stream.linear.gather [hbm4b:s5+s3], $0x2800, $0x38;
	[tilespmem:$0x1D000] =	vst v63  }
0x17: {  	_ =	swait.ge [sflag:s11], $0x2800  }
0x18: {  	[sflag:s11] =	ssyncset.done $0x0  }
0x19: {  	[sflag:s11] =	ssyncadd.s32 $0xFFFFD800  }
0x1a: {  	[tilespmem:s12], [sflag:$0x2] =	stream.linear.gather [hbm4b:s6+s3], $0x2800, $0x38;
	[tilespmem:$0x1D000] =	vst v63  }
0x1b: {  	_ =	swait.ge [sflag:s11], $0x2800  }
0x1c: {  	[sflag:s11] =	ssyncset.done $0x0  }
0x1d: {  	s18 =	simm.s32 $0x0;
	[sflag:s11] =	ssyncadd.s32 $0xFFFFD800  }
0x1e: {  	[tilespmem:s14], [sflag:$0x1] =	stream.indirect.gather [hbm4b:s4+s13], $0x80, s18, s13, $0xb8;
	[tilespmem:$0x1D000] =	vst v63  }
0x1f: {  	_ =	swait.ge [sflag:s15], $0x4000  }
0x20: {  	[sflag:s15] =	ssyncset.done $0x0  }
0x21: {  	s31 =	simm.s32 $0x2800;
	[sflag:s15] =	ssyncadd.s32 $0xFFFFC000  }
0x22: {  	[spmem:s2] =	stream.indirect.scatter.add.f32 [tilespmem:s14], [sflag:$0x2], $0x80, s31, s13, $0xb8;
	[tilespmem:$0x1D000] =	vst v63  }
0x23: {  	_ =	swait.ge [sflag:s11], $0x4000  }
0x24: {  	s19 =	simm.s32 $0x400;
	s18 =	simm.s32 $0x200;
	[sflag:s11] =	ssyncset.done $0x0  }
.LBB2_2:
0x25: {  	s20 =	sshra.s32 s18, $0x2  }
0x26: {  	[sflag:s11] =	ssyncadd.s32 $0xFFFFC000;
	s18 =	smov.u32 s19;
	s21 =	sadd.s32 $0x200, s19  }
0x27: {  	[tilespmem:s14], [sflag:$0x1] =	stream.indirect.gather [hbm4b:s4+s13], $0x80, s20, s13, $0xb8;
	[tilespmem:$0x1D000] =	vst v63  }
0x28: {  	p0 =	sne.s32 s19, $0x9E00;
	_ =	swait.ge [sflag:s15], $0x4000  }
.Ltmp0:
0x29: {  	[sflag:s15] =	ssyncset.done $0x0;
	(pc) =	sbr.rel @p0 .LBB2_2-.Ltmp0, $4  }
0x2a: {  	s19 =	sadd.s32 $0x2800, s20;
	[sflag:s15] =	ssyncadd.s32 $0xFFFFC000  }
0x2b: {  	[spmem:s2] =	stream.indirect.scatter.add.f32 [tilespmem:s14], [sflag:$0x2], $0x80, s19, s13, $0xb8;
	[tilespmem:$0x1D000] =	vst v63  }
0x2c: {  	_ =	swait.ge [sflag:s11], $0x4000  }
0x2d: {  	s19 =	smov.u32 s21;
	[sflag:s11] =	ssyncset.done $0x0  }
0x2e: {  	s18 =	sshra.s32 s18, $0x2;
	[sflag:s11] =	ssyncadd.s32 $0xFFFFC000  }
0x2f: {  	[tilespmem:s14], [sflag:$0x1] =	stream.indirect.gather [hbm4b:s4+s13], $0x80, s18, s13, $0xb8;
	[tilespmem:$0x1D000] =	vst v63  }
0x30: {  	_ =	swait.ge [sflag:s15], $0x4000  }
0x31: {  	[sflag:s15] =	ssyncset.done $0x0  }
0x32: {  	s18 =	sadd.s32 $0x2800, s18;
	[sflag:s15] =	ssyncadd.s32 $0xFFFFC000  }
0x33: {  	[spmem:s2] =	stream.indirect.scatter.add.f32 [tilespmem:s14], [sflag:$0x2], $0x80, s18, s13, $0xb8;
	[tilespmem:$0x1D000] =	vst v63  }
0x34: {  	_ =	swait.ge [sflag:s11], $0x4000  }
0x35: {  	s17 =	sadd.s32 $0x1, s17;
	[sflag:s11] =	ssyncset.done $0x0  }
0x36: {  	p0 =	sne.s32 s17, s7;
	[sflag:s11] =	ssyncadd.s32 $0xFFFFC000  }
.Ltmp1:
0x37: {  	[bflag:$0x0] =	sbarrier.arrive $0xFFFF;
	(pc) =	sbr.rel @p0 .LBB2_1-.Ltmp1, $4  }
0x38: {  	[hbm:s16], [sflag:s9] =	dma.local [spmem:s10], $0x2800  }
0x39: {  	_ =	swait.ge [sflag:s11], $0x2800  }
0x3a: {  	[sflag:s11] =	ssyncset.done $0x0  }
0x3b: {  	[sflag:s11] =	ssyncadd.s32 $0xFFFFD800  }
0x3c: {  	_ =	sfence.sel $0x180000  }
0x3d: {  	[bflag:$0x0] =	sbarrier.arrive $0xFFFF  }
0x3e: {  	p0 =	sne.s32 s0, $0x0;
	_ =	strace $0x90000047  }
0x3f: {  	s0 =	sadd.s32 @!p0 $0x100000, s1;
	[bflag:$0x2] =	sbarrier.arrive $0xFFFF  }
0x40: {  	[sflag:s0] =	ssyncadd.tile.s32 @!p0 $0x1;
	_ =	shalt  }
.Lfunc_end2:
_tile_overlayer_lowered:
.L_overlay_start_2:
0x41: {  	(tag) =	ssettag $0x2  }
0x42: {  	s0 =	rddreg [dreg:$0x0];
	s2 =	stileid.u32  }
0x43: {  	s1 =	rddreg [dreg:$0x1];
	p0 =	sne.s32 s2, $0x0  }
0x44: {  	s3 =	rddreg [dreg:$0x2];
	[bflag:$0x3] =	sbarrier.arrive $0xFFFF;
	s2 =	simm.s32 @!p0 $0x1C02  }
0x45: {  	[timem:s3], [sflag:s2] =	dma.local @!p0 [hbm:s0], s1  }
0x46: {  	s0 =	simm.s32 @!p0 $0x2  }
0x47: {  	_ =	swait.ge @!p0 [sflag:s0], s1  }
0x48: {  	s1 =	ssub.s32 @!p0 $0x0, s1;
	[sflag:s0] =	ssyncset.done @!p0 $0x0  }
0x49: {  	[sflag:s0] =	ssyncadd.s32 @!p0 s1  }
0x4a: {  	[bflag:$0x3] =	sbarrier.arrive $0xFFFF  }
0x4b: {  	_ =	shalt  }

</sc_bundles>
